<compile_context>
chip_gen: v7x
topology: tpu7x:2x2x1
jax: 0.10.2.dev20260603
libtpu: 0.0.44.dev20260713+nightly
codegen_flags: <defaults>
</compile_context>

<pallas_src>
import functools

import jax
import jax.numpy as jnp
from jax import lax
from jax.experimental import pallas as pl
from jax.experimental.pallas import tpu as pltpu
from jax.experimental.pallas import tpu_sc as plsc

_E = 64
_K = 2
_H = 1024
_F = 512
_FS = 512
_C = 192
_N = 2048
_EC = _E * _C
_XR = (_E + 1) * _C
_WB = 16

_NC = 2
_NS = 16
_NW = _NC * _NS
_TPW = _N // _NW


def _sc_mesh():
    return plsc.VectorSubcoreMesh(core_axis_name="c", subcore_axis_name="s",
                                  num_cores=_NC, num_subcores=_NS)


_HI_MASK = -65536


def _rne_bf16_bits(v):
    r = lax.bitcast_convert_type(v, jnp.int32)
    r = r + 0x7FFF + (lax.shift_right_logical(r, 16) & 1)
    return r & _HI_MASK


def _pack_pair(lo_f32, hi_f32):
    lo = lax.shift_right_logical(_rne_bf16_bits(lo_f32), 16)
    hi = _rne_bf16_bits(hi_f32)
    return hi | lo


def _unpack_lo(p):
    return lax.bitcast_convert_type(lax.shift_left(p, 16), jnp.float32)


def _unpack_hi(p):
    return lax.bitcast_convert_type(p & _HI_MASK, jnp.float32)


def _router_body(x_ref, wg_ref, b_ref, loc_ref, w_ref, xp_ref):
    x = x_ref[...]
    xp_ref[...] = _pack_pair(x[:, :_H // 2], x[:, _H // 2:])
    logits = lax.dot_general(x, wg_ref[...], (((1,), (1,)), ((), ())),
                             preferred_element_type=jnp.float32)
    scores = jax.nn.sigmoid(logits)
    biased = scores + b_ref[...]
    ie = lax.broadcasted_iota(jnp.int32, (_N, _E), 1)

    m1 = jnp.max(biased, axis=1, keepdims=True)
    id1 = jnp.min(jnp.where(biased == m1, ie, _E), axis=1, keepdims=True)
    oh1 = ie == id1
    b2 = jnp.where(oh1, -jnp.inf, biased)
    m2 = jnp.max(b2, axis=1, keepdims=True)
    id2 = jnp.min(jnp.where(b2 == m2, ie, _E), axis=1, keepdims=True)
    oh2 = ie == id2

    w1 = jnp.sum(jnp.where(oh1, scores, 0.0), axis=1, keepdims=True)
    w2 = jnp.sum(jnp.where(oh2, scores, 0.0), axis=1, keepdims=True)
    s = w1 + w2

    oh_t = oh1.astype(jnp.int32) + oh2.astype(jnp.int32)
    cum = oh_t
    sft = 1
    while sft < _N:
        cum = cum + jnp.concatenate(
            [jnp.zeros((sft, _E), jnp.int32), cum[:-sft, :]], axis=0)
        sft *= 2
    pexcl = cum - oh_t
    rank0 = jnp.sum(jnp.where(oh1, pexcl, 0), axis=1)
    rank1 = jnp.sum(jnp.where(oh2, pexcl, 0), axis=1)

    id1f = jnp.min(jnp.where(oh1, ie, _E), axis=1)
    id2f = jnp.min(jnp.where(oh2, ie, _E), axis=1)
    loc0 = jnp.where(rank0 < _C, id1f * _C + rank0, _EC)
    loc1 = jnp.where(rank1 < _C, id2f * _C + rank1, _EC)

    loc_ref[0:1, :] = loc0[None, :]
    loc_ref[1:2, :] = loc1[None, :]
    w_ref[0:1, :, :] = jnp.broadcast_to(w1 / s, (_N, 16))[None]
    w_ref[1:2, :, :] = jnp.broadcast_to(w2 / s, (_N, 16))[None]


def _router(x, w_gate, bias):
    return pl.pallas_call(
        _router_body,
        out_shape=[
            jax.ShapeDtypeStruct((2, _N), jnp.int32),
            jax.ShapeDtypeStruct((2, _N, 16), jnp.float32),
            jax.ShapeDtypeStruct((_N, _H // 2), jnp.int32),
        ],
    )(x, w_gate, bias)


def _dispatch_body(x_hbm, loc_hbm, xbuf_hbm, xrows, idx0, idx1, s0, s1):
    wid = lax.axis_index("s") * _NC + lax.axis_index("c")
    base = wid * _TPW
    ci = pltpu.async_copy(x_hbm.at[pl.ds(base, _TPW)], xrows, s0)
    pltpu.sync_copy(loc_hbm.at[0, pl.ds(base, _TPW)], idx0)
    pltpu.sync_copy(loc_hbm.at[1, pl.ds(base, _TPW)], idx1)
    ci.wait()

    c0 = pltpu.async_copy(xrows, xbuf_hbm.at[idx0], s0)
    c1 = pltpu.async_copy(xrows, xbuf_hbm.at[idx1], s1)
    c0.wait()
    c1.wait()


def _dispatch(x, loc01):
    fn = pl.kernel(
        _dispatch_body,
        out_type=jax.ShapeDtypeStruct((_XR, _H // 2), jnp.int32),
        mesh=_sc_mesh(),
        scratch_types=[
            pltpu.VMEM((_TPW, _H // 2), jnp.int32),
            pltpu.VMEM((_TPW,), jnp.int32),
            pltpu.VMEM((_TPW,), jnp.int32),
            pltpu.SemaphoreType.DMA,
            pltpu.SemaphoreType.DMA,
        ],
    )
    return fn(x, loc01)


def _experts_body(x_ref, wgu_ref, wd_ref, out_ref):
    e = pl.program_id(0)
    xp = x_ref[...]
    xlo = _unpack_lo(xp).astype(jnp.bfloat16)
    xhi = _unpack_hi(xp).astype(jnp.bfloat16)
    wgu = wgu_ref[0]
    wlo = wgu[:_H // 2, :].astype(jnp.bfloat16)
    whi = wgu[_H // 2:, :].astype(jnp.bfloat16)
    gu = (jnp.dot(xlo, wlo, preferred_element_type=jnp.float32)
          + jnp.dot(xhi, whi, preferred_element_type=jnp.float32))
    g = gu[:, :_F]
    u = gu[:, _F:]
    act = (g * jax.nn.sigmoid(g) * u).astype(jnp.bfloat16)
    eo = jnp.dot(act, wd_ref[0].astype(jnp.bfloat16),
                 preferred_element_type=jnp.float32)
    packed = _pack_pair(eo[:, :_H // 2], eo[:, _H // 2:])
    pred = lax.broadcast(e < _E, (_C, _H // 2))
    out_ref[...] = jnp.where(pred, packed, 0)


def _experts(xbuf, w_gate_up, w_down):
    return pl.pallas_call(
        _experts_body,
        grid=(_E + 1,),
        in_specs=[
            pl.BlockSpec((_C, _H // 2), lambda e: (e, 0)),
            pl.BlockSpec((1, _H, 2 * _F), lambda e: (jnp.minimum(e, _E - 1), 0, 0)),
            pl.BlockSpec((1, _F, _H), lambda e: (jnp.minimum(e, _E - 1), 0, 0)),
        ],
        out_specs=pl.BlockSpec((_C, _H // 2), lambda e: (e, 0)),
        out_shape=jax.ShapeDtypeStruct((_XR, _H // 2), jnp.int32),
    )(xbuf, w_gate_up, w_down)


_FB = 256


def _finalize_body(x_ref, wgu_ref, wd_ref, g0_ref, g1_ref, w_ref, out_ref):
    xp = x_ref[...]
    xlo = _unpack_lo(xp).astype(jnp.bfloat16)
    xhi = _unpack_hi(xp).astype(jnp.bfloat16)
    wsgu = wgu_ref[...]
    gu = (jnp.dot(xlo, wsgu[:_H // 2].astype(jnp.bfloat16),
                  preferred_element_type=jnp.float32)
          + jnp.dot(xhi, wsgu[_H // 2:].astype(jnp.bfloat16),
                    preferred_element_type=jnp.float32))
    g = gu[:, :_FS]
    u = gu[:, _FS:]
    act = (g * jax.nn.sigmoid(g) * u).astype(jnp.bfloat16)
    sh = jnp.dot(act, wd_ref[...].astype(jnp.bfloat16),
                 preferred_element_type=jnp.float32)
    p0 = g0_ref[0]
    p1 = g1_ref[0]
    w0 = w_ref[0, :, 0:1]
    w1 = w_ref[1, :, 0:1]
    r_lo = _unpack_lo(p0) * w0 + _unpack_lo(p1) * w1
    r_hi = _unpack_hi(p0) * w0 + _unpack_hi(p1) * w1
    out_ref[...] = jnp.concatenate([r_lo, r_hi], axis=1) + sh


def _finalize(xp, ws_gate_up, ws_down, g01, w01):
    return pl.pallas_call(
        _finalize_body,
        grid=(_N // _FB,),
        in_specs=[
            pl.BlockSpec((_FB, _H // 2), lambda i: (i, 0)),
            pl.BlockSpec((_H, 2 * _FS), lambda i: (0, 0)),
            pl.BlockSpec((_FS, _H), lambda i: (0, 0)),
            pl.BlockSpec((1, _FB, _H // 2), lambda i: (0, i, 0)),
            pl.BlockSpec((1, _FB, _H // 2), lambda i: (1, i, 0)),
            pl.BlockSpec((2, _FB, 16), lambda i: (0, i, 0)),
        ],
        out_specs=pl.BlockSpec((_FB, _H), lambda i: (i, 0)),
        out_shape=jax.ShapeDtypeStruct((_N, _H), jnp.float32),
    )(xp, ws_gate_up, ws_down, g01, g01, w01)


def _combine_body(eo_hbm, loc_hbm, g_hbm, p0, p1, idx0, idx1, s0, s1):
    wid = lax.axis_index("s") * _NC + lax.axis_index("c")
    base = wid * _TPW
    pltpu.sync_copy(loc_hbm.at[0, pl.ds(base, _TPW)], idx0)
    pltpu.sync_copy(loc_hbm.at[1, pl.ds(base, _TPW)], idx1)
    ca = pltpu.async_copy(eo_hbm.at[idx0], p0, s0)
    cb = pltpu.async_copy(eo_hbm.at[idx1], p1, s1)
    ca.wait()
    cb.wait()
    cw0 = pltpu.async_copy(p0, g_hbm.at[0, pl.ds(base, _TPW)], s0)
    cw1 = pltpu.async_copy(p1, g_hbm.at[1, pl.ds(base, _TPW)], s1)
    cw0.wait()
    cw1.wait()


def _combine(eo, loc01):
    fn = pl.kernel(
        _combine_body,
        out_type=jax.ShapeDtypeStruct((2, _N, _H // 2), jnp.int32),
        mesh=_sc_mesh(),
        scratch_types=[
            pltpu.VMEM((_TPW, _H // 2), jnp.int32),
            pltpu.VMEM((_TPW, _H // 2), jnp.int32),
            pltpu.VMEM((_TPW,), jnp.int32),
            pltpu.VMEM((_TPW,), jnp.int32),
            pltpu.SemaphoreType.DMA,
            pltpu.SemaphoreType.DMA,
        ],
    )
    return fn(eo, loc01)


def kernel(hidden_states, W_gate, expert_bias, W_gate_up, W_down,
           Ws_gate_up, Ws_down):
    orig_shape = hidden_states.shape
    x = hidden_states.reshape(-1, _H)
    loc01, w01, xp = _router(x, W_gate, expert_bias.reshape(1, _E))
    xbuf = _dispatch(xp, loc01)
    eo = _experts(xbuf, W_gate_up, W_down)
    g01 = _combine(eo, loc01)
    out = _finalize(xp, Ws_gate_up, Ws_down, g01, w01)
    return out.reshape(orig_shape)

# --- scband reference (transcript-rebuilt; emitter-appended) ---
"""Pipeline reference for scband-hyv3-mo-efused-53970559042167 (READ-ONLY COPY).

The authoritative reference and input builder live on the scoring server;
editing this copy changes nothing except your own understanding.
"""

import jax, jax.numpy as jnp
import numpy as np

E = 64      # num_experts
K = 2       # num_experts_per_tok
H = 1024    # hidden_size
F = 512     # expert_hidden_dim
FS = 512    # shared intermediate = expert_hidden_dim * num_shared_experts
C = 192     # per-expert capacity (3x expected load N*K/E = 64; overflow prob ~0)
ROUTED_SCALING = 1.0


def silu(x):
    return x * jax.nn.sigmoid(x)


def setup_inputs(seed: int = 0) -> dict:
    key = jax.random.key(seed)
    ks = jax.random.split(key, 8)
    hidden_states = jax.random.normal(ks[0], (1, 2048, H), dtype=jnp.float32)
    W_gate = jax.random.normal(ks[1], (E, H), dtype=jnp.float32) * 0.02
    expert_bias = jax.random.normal(ks[2], (E,), dtype=jnp.float32) * 0.02
    W_gate_up = jax.random.normal(ks[3], (E, H, 2 * F), dtype=jnp.float32) * 0.02
    W_down = jax.random.normal(ks[4], (E, F, H), dtype=jnp.float32) * 0.02
    Ws_gate_up = jax.random.normal(ks[5], (H, 2 * FS), dtype=jnp.float32) * 0.02
    Ws_down = jax.random.normal(ks[6], (FS, H), dtype=jnp.float32) * 0.02
    return {
        "hidden_states": hidden_states,
        "W_gate": W_gate,
        "expert_bias": expert_bias,
        "W_gate_up": W_gate_up,
        "W_down": W_down,
        "Ws_gate_up": Ws_gate_up,
        "Ws_down": Ws_down,
    }


def reference(hidden_states, W_gate, expert_bias, W_gate_up, W_down, Ws_gate_up, Ws_down):
    orig_shape = hidden_states.shape
    x = hidden_states.reshape(-1, orig_shape[-1])
    N = x.shape[0]

    # --- gate (fp32 router) ---
    logits = x.astype(jnp.float32) @ W_gate.T            # [N, E]
    scores = jax.nn.sigmoid(logits)                       # scoring_func='sigmoid'
    biased = scores + expert_bias[None, :]                # e_score_correction_bias
    # num_expert_group=1, topk_group=1 -> group masking is identity
    _, topk_ids = jax.lax.top_k(biased, K)                # [N, K] select on biased scores
    topk_w = jnp.take_along_axis(scores, topk_ids, axis=1)  # weights from ORIGINAL scores
    topk_w = topk_w / jnp.sum(topk_w, axis=1, keepdims=True)  # renormalize (route_norm)
    topk_w = topk_w * ROUTED_SCALING
    topk_w = topk_w.astype(x.dtype)

    # --- token dispatch to experts (capacity-buffered, sparsecore-style) ---
    flat_e = topk_ids.reshape(-1)                         # [N*K]
    flat_t = jnp.repeat(jnp.arange(N), K)                 # [N*K]
    flat_w = topk_w.reshape(-1)
    order = jnp.argsort(flat_e)
    se = flat_e[order]
    st = flat_t[order]
    sw = flat_w[order]
    counts = jnp.bincount(flat_e, length=E)
    starts = jnp.cumsum(counts) - counts
    pos = jnp.arange(N * K) - starts[se]                  # rank within expert
    valid = (pos < C)

    buf = jnp.zeros((E, C, H), dtype=x.dtype).at[se, pos].set(x[st], mode='drop')

    # --- per-expert SwiGLU MLP ---
    gu = jnp.einsum('ech,ehf->ecf', buf, W_gate_up)       # [E, C, 2F]
    g, u = gu[..., :F], gu[..., F:]
    act = silu(g) * u                                     # SiluAndMul
    eo = jnp.einsum('ecf,efh->ech', act, W_down)          # [E, C, H]

    # --- combine ---
    pos_safe = jnp.minimum(pos, C - 1)
    ys = eo[se, pos_safe] * valid[:, None].astype(x.dtype)
    routed = jnp.zeros((N, H), dtype=x.dtype).at[st].add(ys * sw[:, None])

    # --- shared expert (reduce_results=False path; added to routed output) ---
    gu2 = x @ Ws_gate_up
    shared = (silu(gu2[:, :FS]) * gu2[:, FS:]) @ Ws_down

    out = routed + shared
    return out.reshape(orig_shape)

if __name__ == "__main__":
    import jax
    _d = setup_inputs()
    print(jax.jit(kernel)(*tuple(_d.values())))

</pallas_src>

<mosaic_0001>
#map = affine_map<(d0, d1) -> (0, 0)>
#map1 = affine_map<(d0, d1) -> (0, 0, 0)>
module attributes {stable_mosaic.version = 14 : i64} {
  func.func @_combine_body(%arg0: i32, %arg1: i32, %arg2: memref<12480x512xi32, #tpu.memory_space<hbm>>, %arg3: memref<2x2048xi32, #tpu.memory_space<hbm>>, %arg4: memref<2x2048x512xi32, #tpu.memory_space<hbm>>, %arg5: memref<64x512xi32, #tpu.memory_space<vmem>>, %arg6: memref<64x512xi32, #tpu.memory_space<vmem>>, %arg7: memref<64xi32, #tpu.memory_space<vmem>>, %arg8: memref<64xi32, #tpu.memory_space<vmem>>, %arg9: memref<!tpu.dma_semaphore, #tpu.memory_space<semaphore_mem>>, %arg10: memref<!tpu.dma_semaphore, #tpu.memory_space<semaphore_mem>>) attributes {dimension_semantics = [#tpu.dimension_semantics<core_parallel>, #tpu.dimension_semantics<subcore_parallel>], iteration_bounds = array<i64: 2, 16>, scalar_prefetch = 0 : i64, scratch_operands = 6 : i64, tpu.core_type = #tpu.core_type<sc_vector_subcore>, window_params = [{transform_indices = #map}, {transform_indices = #map}, {transform_indices = #map1}]} {
    %mul3A = arith.constant 2 : i32
    %mul3A_0 = arith.muli %arg1, %mul3A : i32
    %add3A = arith.addi %mul3A_0, %arg0 : i32
    %mul3A_1 = arith.constant 64 : i32
    %mul3A_2 = arith.muli %add3A, %mul3A_1 : i32
    %run_scoped3A = arith.constant 0 : i32
    "tpu.region"() ({
      %run_scoped3A_42 = tpu.sem_alloc : memref<!tpu.dma_semaphore, #tpu.memory_space<semaphore_mem>>
      %dma_start3A_43 = tpu.memref_slice %arg3[%run_scoped3A, %mul3A_2] : memref<2x2048xi32, #tpu.memory_space<hbm>> -> memref<1x64xi32, #tpu.memory_space<hbm>>
      %dma_start3A_44 = tpu.memref_squeeze %dma_start3A_43 : memref<1x64xi32, #tpu.memory_space<hbm>> -> memref<64xi32, #tpu.memory_space<hbm>>
      %dma_start3A_45 = tpu.memref_slice %arg3[%run_scoped3A, %mul3A_2] : memref<2x2048xi32, #tpu.memory_space<hbm>> -> memref<1x64xi32, #tpu.memory_space<hbm>>
      %dma_start3A_46 = tpu.memref_squeeze %dma_start3A_45 : memref<1x64xi32, #tpu.memory_space<hbm>> -> memref<64xi32, #tpu.memory_space<hbm>>
      tpu.enqueue_dma source(%dma_start3A_46 : memref<64xi32, #tpu.memory_space<hbm>>) target(%arg7 : memref<64xi32, #tpu.memory_space<vmem>>) target_semaphore(%run_scoped3A_42 : memref<!tpu.dma_semaphore, #tpu.memory_space<semaphore_mem>>)
      %dma_wait3A_47 = tpu.memref_slice %arg3[%run_scoped3A, %mul3A_2] : memref<2x2048xi32, #tpu.memory_space<hbm>> -> memref<1x64xi32, #tpu.memory_space<hbm>>
      %dma_wait3A_48 = tpu.memref_squeeze %dma_wait3A_47 : memref<1x64xi32, #tpu.memory_space<hbm>> -> memref<64xi32, #tpu.memory_space<hbm>>
      %dma_wait3A_49 = tpu.memref_slice %arg3[%run_scoped3A, %mul3A_2] : memref<2x2048xi32, #tpu.memory_space<hbm>> -> memref<1x64xi32, #tpu.memory_space<hbm>>
      %dma_wait3A_50 = tpu.memref_squeeze %dma_wait3A_49 : memref<1x64xi32, #tpu.memory_space<hbm>> -> memref<64xi32, #tpu.memory_space<hbm>>
      tpu.wait_dma2 semaphore(%run_scoped3A_42 : memref<!tpu.dma_semaphore, #tpu.memory_space<semaphore_mem>>) src(%dma_wait3A_50 : memref<64xi32, #tpu.memory_space<hbm>>) dst(%arg7 : memref<64xi32, #tpu.memory_space<vmem>>)
      tpu.yield
    }) : () -> ()
    %run_scoped3A_3 = arith.constant 1 : i32
    "tpu.region"() ({
      %run_scoped3A_42 = tpu.sem_alloc : memref<!tpu.dma_semaphore, #tpu.memory_space<semaphore_mem>>
      %dma_start3A_43 = tpu.memref_slice %arg3[%run_scoped3A_3, %mul3A_2] : memref<2x2048xi32, #tpu.memory_space<hbm>> -> memref<1x64xi32, #tpu.memory_space<hbm>>
      %dma_start3A_44 = tpu.memref_squeeze %dma_start3A_43 : memref<1x64xi32, #tpu.memory_space<hbm>> -> memref<64xi32, #tpu.memory_space<hbm>>
      %dma_start3A_45 = tpu.memref_slice %arg3[%run_scoped3A_3, %mul3A_2] : memref<2x2048xi32, #tpu.memory_space<hbm>> -> memref<1x64xi32, #tpu.memory_space<hbm>>
      %dma_start3A_46 = tpu.memref_squeeze %dma_start3A_45 : memref<1x64xi32, #tpu.memory_space<hbm>> -> memref<64xi32, #tpu.memory_space<hbm>>
      tpu.enqueue_dma source(%dma_start3A_46 : memref<64xi32, #tpu.memory_space<hbm>>) target(%arg8 : memref<64xi32, #tpu.memory_space<vmem>>) target_semaphore(%run_scoped3A_42 : memref<!tpu.dma_semaphore, #tpu.memory_space<semaphore_mem>>)
      %dma_wait3A_47 = tpu.memref_slice %arg3[%run_scoped3A_3, %mul3A_2] : memref<2x2048xi32, #tpu.memory_space<hbm>> -> memref<1x64xi32, #tpu.memory_space<hbm>>
      %dma_wait3A_48 = tpu.memref_squeeze %dma_wait3A_47 : memref<1x64xi32, #tpu.memory_space<hbm>> -> memref<64xi32, #tpu.memory_space<hbm>>
      %dma_wait3A_49 = tpu.memref_slice %arg3[%run_scoped3A_3, %mul3A_2] : memref<2x2048xi32, #tpu.memory_space<hbm>> -> memref<1x64xi32, #tpu.memory_space<hbm>>
      %dma_wait3A_50 = tpu.memref_squeeze %dma_wait3A_49 : memref<1x64xi32, #tpu.memory_space<hbm>> -> memref<64xi32, #tpu.memory_space<hbm>>
      tpu.wait_dma2 semaphore(%run_scoped3A_42 : memref<!tpu.dma_semaphore, #tpu.memory_space<semaphore_mem>>) src(%dma_wait3A_50 : memref<64xi32, #tpu.memory_space<hbm>>) dst(%arg8 : memref<64xi32, #tpu.memory_space<vmem>>)
      tpu.yield
    }) : () -> ()
    %dma_start3A = arith.constant 0 : i32
    %dma_start3A_4 = arith.constant 0 : i32
    %dma_start3A_5 = tpu.memref_slice %arg2[%dma_start3A, %dma_start3A_4] : memref<12480x512xi32, #tpu.memory_space<hbm>> -> memref<12480x512xi32, #tpu.memory_space<hbm>>
    tpu.enqueue_indirect_dma source(%dma_start3A_5 : memref<12480x512xi32, #tpu.memory_space<hbm>>) target(%arg5 : memref<64x512xi32, #tpu.memory_space<vmem>>) offsets(%arg7 : memref<64xi32, #tpu.memory_space<vmem>>) semaphore(%arg9 : memref<!tpu.dma_semaphore, #tpu.memory_space<semaphore_mem>>)
    %dma_start3A_6 = arith.constant 0 : i32
    %dma_start3A_7 = arith.constant 0 : i32
    %dma_start3A_8 = tpu.memref_slice %arg2[%dma_start3A_6, %dma_start3A_7] : memref<12480x512xi32, #tpu.memory_space<hbm>> -> memref<12480x512xi32, #tpu.memory_space<hbm>>
    tpu.enqueue_indirect_dma source(%dma_start3A_8 : memref<12480x512xi32, #tpu.memory_space<hbm>>) target(%arg6 : memref<64x512xi32, #tpu.memory_space<vmem>>) offsets(%arg8 : memref<64xi32, #tpu.memory_space<vmem>>) semaphore(%arg10 : memref<!tpu.dma_semaphore, #tpu.memory_space<semaphore_mem>>)
    %dma_wait3A = arith.constant 0 : i32
    %dma_wait3A_9 = arith.constant 0 : i32
    %dma_wait3A_10 = tpu.memref_slice %arg2[%dma_wait3A, %dma_wait3A_9] : memref<12480x512xi32, #tpu.memory_space<hbm>> -> memref<12480x512xi32, #tpu.memory_space<hbm>>
    tpu.wait_indirect_dma semaphore(%arg9 : memref<!tpu.dma_semaphore, #tpu.memory_space<semaphore_mem>>) src(%dma_wait3A_10 : memref<12480x512xi32, #tpu.memory_space<hbm>>) dst(%arg5 : memref<64x512xi32, #tpu.memory_space<vmem>>)
    %dma_wait3A_11 = arith.constant 0 : i32
    %dma_wait3A_12 = arith.constant 0 : i32
    %dma_wait3A_13 = tpu.memref_slice %arg2[%dma_wait3A_11, %dma_wait3A_12] : memref<12480x512xi32, #tpu.memory_space<hbm>> -> memref<12480x512xi32, #tpu.memory_space<hbm>>
    tpu.wait_indirect_dma semaphore(%arg10 : memref<!tpu.dma_semaphore, #tpu.memory_space<semaphore_mem>>) src(%dma_wait3A_13 : memref<12480x512xi32, #tpu.memory_space<hbm>>) dst(%arg6 : memref<64x512xi32, #tpu.memory_space<vmem>>)
    %dma_start3A_14 = arith.constant 0 : i32
    %dma_start3A_15 = arith.constant 0 : i32
    %dma_start3A_16 = tpu.memref_slice %arg4[%dma_start3A_14, %mul3A_2, %dma_start3A_15] : memref<2x2048x512xi32, #tpu.memory_space<hbm>> -> memref<1x64x512xi32, #tpu.memory_space<hbm>>
    %dma_start3A_17 = tpu.memref_squeeze %dma_start3A_16 : memref<1x64x512xi32, #tpu.memory_space<hbm>> -> memref<64x512xi32, #tpu.memory_space<hbm>>
    %dma_start3A_18 = arith.constant 0 : i32
    %dma_start3A_19 = tpu.memref_slice %arg4[%dma_start3A_14, %mul3A_2, %dma_start3A_18] : memref<2x2048x512xi32, #tpu.memory_space<hbm>> -> memref<1x64x512xi32, #tpu.memory_space<hbm>>
    %dma_start3A_20 = tpu.memref_squeeze %dma_start3A_19 : memref<1x64x512xi32, #tpu.memory_space<hbm>> -> memref<64x512xi32, #tpu.memory_space<hbm>>
    tpu.enqueue_dma source(%arg5 : memref<64x512xi32, #tpu.memory_space<vmem>>) target(%dma_start3A_20 : memref<64x512xi32, #tpu.memory_space<hbm>>) target_semaphore(%arg9 : memref<!tpu.dma_semaphore, #tpu.memory_space<semaphore_mem>>)
    %dma_start3A_21 = arith.constant 1 : i32
    %dma_start3A_22 = arith.constant 0 : i32
    %dma_start3A_23 = tpu.memref_slice %arg4[%dma_start3A_21, %mul3A_2, %dma_start3A_22] : memref<2x2048x512xi32, #tpu.memory_space<hbm>> -> memref<1x64x512xi32, #tpu.memory_space<hbm>>
    %dma_start3A_24 = tpu.memref_squeeze %dma_start3A_23 : memref<1x64x512xi32, #tpu.memory_space<hbm>> -> memref<64x512xi32, #tpu.memory_space<hbm>>
    %dma_start3A_25 = arith.constant 0 : i32
    %dma_start3A_26 = tpu.memref_slice %arg4[%dma_start3A_21, %mul3A_2, %dma_start3A_25] : memref<2x2048x512xi32, #tpu.memory_space<hbm>> -> memref<1x64x512xi32, #tpu.memory_space<hbm>>
    %dma_start3A_27 = tpu.memref_squeeze %dma_start3A_26 : memref<1x64x512xi32, #tpu.memory_space<hbm>> -> memref<64x512xi32, #tpu.memory_space<hbm>>
    tpu.enqueue_dma source(%arg6 : memref<64x512xi32, #tpu.memory_space<vmem>>) target(%dma_start3A_27 : memref<64x512xi32, #tpu.memory_space<hbm>>) target_semaphore(%arg10 : memref<!tpu.dma_semaphore, #tpu.memory_space<semaphore_mem>>)
    %dma_wait3A_28 = arith.constant 0 : i32
    %dma_wait3A_29 = arith.constant 0 : i32
    %dma_wait3A_30 = tpu.memref_slice %arg4[%dma_wait3A_28, %mul3A_2, %dma_wait3A_29] : memref<2x2048x512xi32, #tpu.memory_space<hbm>> -> memref<1x64x512xi32, #tpu.memory_space<hbm>>
    %dma_wait3A_31 = tpu.memref_squeeze %dma_wait3A_30 : memref<1x64x512xi32, #tpu.memory_space<hbm>> -> memref<64x512xi32, #tpu.memory_space<hbm>>
    %dma_wait3A_32 = arith.constant 0 : i32
    %dma_wait3A_33 = tpu.memref_slice %arg4[%dma_wait3A_28, %mul3A_2, %dma_wait3A_32] : memref<2x2048x512xi32, #tpu.memory_space<hbm>> -> memref<1x64x512xi32, #tpu.memory_space<hbm>>
    %dma_wait3A_34 = tpu.memref_squeeze %dma_wait3A_33 : memref<1x64x512xi32, #tpu.memory_space<hbm>> -> memref<64x512xi32, #tpu.memory_space<hbm>>
    tpu.wait_dma2 semaphore(%arg9 : memref<!tpu.dma_semaphore, #tpu.memory_space<semaphore_mem>>) src(%arg5 : memref<64x512xi32, #tpu.memory_space<vmem>>) dst(%dma_wait3A_34 : memref<64x512xi32, #tpu.memory_space<hbm>>)
    %dma_wait3A_35 = arith.constant 1 : i32
    %dma_wait3A_36 = arith.constant 0 : i32
    %dma_wait3A_37 = tpu.memref_slice %arg4[%dma_wait3A_35, %mul3A_2, %dma_wait3A_36] : memref<2x2048x512xi32, #tpu.memory_space<hbm>> -> memref<1x64x512xi32, #tpu.memory_space<hbm>>
    %dma_wait3A_38 = tpu.memref_squeeze %dma_wait3A_37 : memref<1x64x512xi32, #tpu.memory_space<hbm>> -> memref<64x512xi32, #tpu.memory_space<hbm>>
    %dma_wait3A_39 = arith.constant 0 : i32
    %dma_wait3A_40 = tpu.memref_slice %arg4[%dma_wait3A_35, %mul3A_2, %dma_wait3A_39] : memref<2x2048x512xi32, #tpu.memory_space<hbm>> -> memref<1x64x512xi32, #tpu.memory_space<hbm>>
    %dma_wait3A_41 = tpu.memref_squeeze %dma_wait3A_40 : memref<1x64x512xi32, #tpu.memory_space<hbm>> -> memref<64x512xi32, #tpu.memory_space<hbm>>
    tpu.wait_dma2 semaphore(%arg10 : memref<!tpu.dma_semaphore, #tpu.memory_space<semaphore_mem>>) src(%arg6 : memref<64x512xi32, #tpu.memory_space<vmem>>) dst(%dma_wait3A_41 : memref<64x512xi32, #tpu.memory_space<hbm>>)
    return
  }
}

#map = affine_map<(d0, d1) -> (0, 0)>
module attributes {stable_mosaic.version = 14 : i64} {
  func.func @_dispatch_body(%arg0: i32, %arg1: i32, %arg2: memref<2048x512xi32, #tpu.memory_space<hbm>>, %arg3: memref<2x2048xi32, #tpu.memory_space<hbm>>, %arg4: memref<12480x512xi32, #tpu.memory_space<hbm>>, %arg5: memref<64x512xi32, #tpu.memory_space<vmem>>, %arg6: memref<64xi32, #tpu.memory_space<vmem>>, %arg7: memref<64xi32, #tpu.memory_space<vmem>>, %arg8: memref<!tpu.dma_semaphore, #tpu.memory_space<semaphore_mem>>, %arg9: memref<!tpu.dma_semaphore, #tpu.memory_space<semaphore_mem>>) attributes {dimension_semantics = [#tpu.dimension_semantics<core_parallel>, #tpu.dimension_semantics<subcore_parallel>], iteration_bounds = array<i64: 2, 16>, scalar_prefetch = 0 : i64, scratch_operands = 5 : i64, tpu.core_type = #tpu.core_type<sc_vector_subcore>, window_params = [{transform_indices = #map}, {transform_indices = #map}, {transform_indices = #map}]} {
    %mul3A = arith.constant 2 : i32
    %mul3A_0 = arith.muli %arg1, %mul3A : i32
    %add3A = arith.addi %mul3A_0, %arg0 : i32
    %mul3A_1 = arith.constant 64 : i32
    %mul3A_2 = arith.muli %add3A, %mul3A_1 : i32
    %dma_start3A = arith.constant 0 : i32
    %dma_start3A_3 = tpu.memref_slice %arg2[%mul3A_2, %dma_start3A] : memref<2048x512xi32, #tpu.memory_space<hbm>> -> memref<64x512xi32, #tpu.memory_space<hbm>>
    %dma_start3A_4 = arith.constant 0 : i32
    %dma_start3A_5 = tpu.memref_slice %arg2[%mul3A_2, %dma_start3A_4] : memref<2048x512xi32, #tpu.memory_space<hbm>> -> memref<64x512xi32, #tpu.memory_space<hbm>>
    tpu.enqueue_dma source(%dma_start3A_5 : memref<64x512xi32, #tpu.memory_space<hbm>>) target(%arg5 : memref<64x512xi32, #tpu.memory_space<vmem>>) target_semaphore(%arg8 : memref<!tpu.dma_semaphore, #tpu.memory_space<semaphore_mem>>)
    %run_scoped3A = arith.constant 0 : i32
    "tpu.region"() ({
      %run_scoped3A_22 = tpu.sem_alloc : memref<!tpu.dma_semaphore, #tpu.memory_space<semaphore_mem>>
      %dma_start3A_23 = tpu.memref_slice %arg3[%run_scoped3A, %mul3A_2] : memref<2x2048xi32, #tpu.memory_space<hbm>> -> memref<1x64xi32, #tpu.memory_space<hbm>>
      %dma_start3A_24 = tpu.memref_squeeze %dma_start3A_23 : memref<1x64xi32, #tpu.memory_space<hbm>> -> memref<64xi32, #tpu.memory_space<hbm>>
      %dma_start3A_25 = tpu.memref_slice %arg3[%run_scoped3A, %mul3A_2] : memref<2x2048xi32, #tpu.memory_space<hbm>> -> memref<1x64xi32, #tpu.memory_space<hbm>>
      %dma_start3A_26 = tpu.memref_squeeze %dma_start3A_25 : memref<1x64xi32, #tpu.memory_space<hbm>> -> memref<64xi32, #tpu.memory_space<hbm>>
      tpu.enqueue_dma source(%dma_start3A_26 : memref<64xi32, #tpu.memory_space<hbm>>) target(%arg6 : memref<64xi32, #tpu.memory_space<vmem>>) target_semaphore(%run_scoped3A_22 : memref<!tpu.dma_semaphore, #tpu.memory_space<semaphore_mem>>)
      %dma_wait3A_27 = tpu.memref_slice %arg3[%run_scoped3A, %mul3A_2] : memref<2x2048xi32, #tpu.memory_space<hbm>> -> memref<1x64xi32, #tpu.memory_space<hbm>>
      %dma_wait3A_28 = tpu.memref_squeeze %dma_wait3A_27 : memref<1x64xi32, #tpu.memory_space<hbm>> -> memref<64xi32, #tpu.memory_space<hbm>>
      %dma_wait3A_29 = tpu.memref_slice %arg3[%run_scoped3A, %mul3A_2] : memref<2x2048xi32, #tpu.memory_space<hbm>> -> memref<1x64xi32, #tpu.memory_space<hbm>>
      %dma_wait3A_30 = tpu.memref_squeeze %dma_wait3A_29 : memref<1x64xi32, #tpu.memory_space<hbm>> -> memref<64xi32, #tpu.memory_space<hbm>>
      tpu.wait_dma2 semaphore(%run_scoped3A_22 : memref<!tpu.dma_semaphore, #tpu.memory_space<semaphore_mem>>) src(%dma_wait3A_30 : memref<64xi32, #tpu.memory_space<hbm>>) dst(%arg6 : memref<64xi32, #tpu.memory_space<vmem>>)
      tpu.yield
    }) : () -> ()
    %run_scoped3A_6 = arith.constant 1 : i32
    "tpu.region"() ({
      %run_scoped3A_22 = tpu.sem_alloc : memref<!tpu.dma_semaphore, #tpu.memory_space<semaphore_mem>>
      %dma_start3A_23 = tpu.memref_slice %arg3[%run_scoped3A_6, %mul3A_2] : memref<2x2048xi32, #tpu.memory_space<hbm>> -> memref<1x64xi32, #tpu.memory_space<hbm>>
      %dma_start3A_24 = tpu.memref_squeeze %dma_start3A_23 : memref<1x64xi32, #tpu.memory_space<hbm>> -> memref<64xi32, #tpu.memory_space<hbm>>
      %dma_start3A_25 = tpu.memref_slice %arg3[%run_scoped3A_6, %mul3A_2] : memref<2x2048xi32, #tpu.memory_space<hbm>> -> memref<1x64xi32, #tpu.memory_space<hbm>>
      %dma_start3A_26 = tpu.memref_squeeze %dma_start3A_25 : memref<1x64xi32, #tpu.memory_space<hbm>> -> memref<64xi32, #tpu.memory_space<hbm>>
      tpu.enqueue_dma source(%dma_start3A_26 : memref<64xi32, #tpu.memory_space<hbm>>) target(%arg7 : memref<64xi32, #tpu.memory_space<vmem>>) target_semaphore(%run_scoped3A_22 : memref<!tpu.dma_semaphore, #tpu.memory_space<semaphore_mem>>)
      %dma_wait3A_27 = tpu.memref_slice %arg3[%run_scoped3A_6, %mul3A_2] : memref<2x2048xi32, #tpu.memory_space<hbm>> -> memref<1x64xi32, #tpu.memory_space<hbm>>
      %dma_wait3A_28 = tpu.memref_squeeze %dma_wait3A_27 : memref<1x64xi32, #tpu.memory_space<hbm>> -> memref<64xi32, #tpu.memory_space<hbm>>
      %dma_wait3A_29 = tpu.memref_slice %arg3[%run_scoped3A_6, %mul3A_2] : memref<2x2048xi32, #tpu.memory_space<hbm>> -> memref<1x64xi32, #tpu.memory_space<hbm>>
      %dma_wait3A_30 = tpu.memref_squeeze %dma_wait3A_29 : memref<1x64xi32, #tpu.memory_space<hbm>> -> memref<64xi32, #tpu.memory_space<hbm>>
      tpu.wait_dma2 semaphore(%run_scoped3A_22 : memref<!tpu.dma_semaphore, #tpu.memory_space<semaphore_mem>>) src(%dma_wait3A_30 : memref<64xi32, #tpu.memory_space<hbm>>) dst(%arg7 : memref<64xi32, #tpu.memory_space<vmem>>)
      tpu.yield
    }) : () -> ()
    %dma_wait3A = arith.constant 0 : i32
    %dma_wait3A_7 = tpu.memref_slice %arg2[%mul3A_2, %dma_wait3A] : memref<2048x512xi32, #tpu.memory_space<hbm>> -> memref<64x512xi32, #tpu.memory_space<hbm>>
    %dma_wait3A_8 = arith.constant 0 : i32
    %dma_wait3A_9 = tpu.memref_slice %arg2[%mul3A_2, %dma_wait3A_8] : memref<2048x512xi32, #tpu.memory_space<hbm>> -> memref<64x512xi32, #tpu.memory_space<hbm>>
    tpu.wait_dma2 semaphore(%arg8 : memref<!tpu.dma_semaphore, #tpu.memory_space<semaphore_mem>>) src(%dma_wait3A_9 : memref<64x512xi32, #tpu.memory_space<hbm>>) dst(%arg5 : memref<64x512xi32, #tpu.memory_space<vmem>>)
    %dma_start3A_10 = arith.constant 0 : i32
    %dma_start3A_11 = arith.constant 0 : i32
    %dma_start3A_12 = tpu.memref_slice %arg4[%dma_start3A_10, %dma_start3A_11] : memref<12480x512xi32, #tpu.memory_space<hbm>> -> memref<12480x512xi32, #tpu.memory_space<hbm>>
    tpu.enqueue_indirect_dma source(%arg5 : memref<64x512xi32, #tpu.memory_space<vmem>>) target(%dma_start3A_12 : memref<12480x512xi32, #tpu.memory_space<hbm>>) offsets(%arg6 : memref<64xi32, #tpu.memory_space<vmem>>) semaphore(%arg8 : memref<!tpu.dma_semaphore, #tpu.memory_space<semaphore_mem>>)
    %dma_start3A_13 = arith.constant 0 : i32
    %dma_start3A_14 = arith.constant 0 : i32
    %dma_start3A_15 = tpu.memref_slice %arg4[%dma_start3A_13, %dma_start3A_14] : memref<12480x512xi32, #tpu.memory_space<hbm>> -> memref<12480x512xi32, #tpu.memory_space<hbm>>
    tpu.enqueue_indirect_dma source(%arg5 : memref<64x512xi32, #tpu.memory_space<vmem>>) target(%dma_start3A_15 : memref<12480x512xi32, #tpu.memory_space<hbm>>) offsets(%arg7 : memref<64xi32, #tpu.memory_space<vmem>>) semaphore(%arg9 : memref<!tpu.dma_semaphore, #tpu.memory_space<semaphore_mem>>)
    %dma_wait3A_16 = arith.constant 0 : i32
    %dma_wait3A_17 = arith.constant 0 : i32
    %dma_wait3A_18 = tpu.memref_slice %arg4[%dma_wait3A_16, %dma_wait3A_17] : memref<12480x512xi32, #tpu.memory_space<hbm>> -> memref<12480x512xi32, #tpu.memory_space<hbm>>
    tpu.wait_indirect_dma semaphore(%arg8 : memref<!tpu.dma_semaphore, #tpu.memory_space<semaphore_mem>>) src(%arg5 : memref<64x512xi32, #tpu.memory_space<vmem>>) dst(%dma_wait3A_18 : memref<12480x512xi32, #tpu.memory_space<hbm>>)
    %dma_wait3A_19 = arith.constant 0 : i32
    %dma_wait3A_20 = arith.constant 0 : i32
    %dma_wait3A_21 = tpu.memref_slice %arg4[%dma_wait3A_19, %dma_wait3A_20] : memref<12480x512xi32, #tpu.memory_space<hbm>> -> memref<12480x512xi32, #tpu.memory_space<hbm>>
    tpu.wait_indirect_dma semaphore(%arg9 : memref<!tpu.dma_semaphore, #tpu.memory_space<semaphore_mem>>) src(%arg5 : memref<64x512xi32, #tpu.memory_space<vmem>>) dst(%dma_wait3A_21 : memref<12480x512xi32, #tpu.memory_space<hbm>>)
    return
  }
}

module attributes {stable_mosaic.version = 14 : i64} {
  func.func @_finalize_body(%arg0: i32, %arg1: memref<256x512xi32, #tpu.memory_space<vmem>>, %arg2: memref<1024x1024xf32, #tpu.memory_space<vmem>>, %arg3: memref<512x1024xf32, #tpu.memory_space<vmem>>, %arg4: memref<1x256x512xi32, #tpu.memory_space<vmem>>, %arg5: memref<1x256x512xi32, #tpu.memory_space<vmem>>, %arg6: memref<2x256x16xf32, #tpu.memory_space<vmem>>, %arg7: memref<256x1024xf32, #tpu.memory_space<vmem>>) attributes {dimension_semantics = [#tpu.dimension_semantics<arbitrary>], iteration_bounds = array<i64: 8>, scalar_prefetch = 0 : i64, scratch_operands = 0 : i64, tpu.core_type = #tpu.core_type<tc>, window_params = [{transform_indices = @transform_0, window_bounds = array<i64: 256, 512>}, {pipeline_mode = #tpu.pipeline_mode<synchronous>, transform_indices = @transform_1, window_bounds = array<i64: 1024, 1024>}, {pipeline_mode = #tpu.pipeline_mode<synchronous>, transform_indices = @transform_2, window_bounds = array<i64: 512, 1024>}, {transform_indices = @transform_3, window_bounds = array<i64: 1, 256, 512>}, {transform_indices = @transform_4, window_bounds = array<i64: 1, 256, 512>}, {transform_indices = @transform_5, window_bounds = array<i64: 2, 256, 16>}, {transform_indices = @transform_6, window_bounds = array<i64: 256, 1024>}]} {
    %get3A = arith.constant 0 : index
    %get3A_0 = arith.constant 0 : index
    %get3A_1 = vector.load %arg1[%get3A, %get3A_0] : memref<256x512xi32, #tpu.memory_space<vmem>>, vector<256x512xi32>
    %shift_left3A = arith.constant 16 : i32
    %shift_left3A_2 = vector.broadcast %shift_left3A : i32 to vector<256x512xi32>
    %shift_left3A_3 = arith.shli %get3A_1, %shift_left3A_2 : vector<256x512xi32>
    %bitcast_convert_type3A = tpu.bitcast %shift_left3A_3 : vector<256x512xi32> -> vector<256x512xf32>
    %convert_element_type3A = arith.truncf %bitcast_convert_type3A : vector<256x512xf32> to vector<256x512xbf16>
    %and3A = arith.constant -65536 : i32
    %and3A_4 = vector.broadcast %and3A : i32 to vector<256x512xi32>
    %and3A_5 = arith.andi %get3A_1, %and3A_4 : vector<256x512xi32>
    %bitcast_convert_type3A_6 = tpu.bitcast %and3A_5 : vector<256x512xi32> -> vector<256x512xf32>
    %convert_element_type3A_7 = arith.truncf %bitcast_convert_type3A_6 : vector<256x512xf32> to vector<256x512xbf16>
    %get3A_8 = arith.constant 0 : index
    %get3A_9 = arith.constant 0 : index
    %get3A_10 = vector.load %arg2[%get3A_8, %get3A_9] : memref<1024x1024xf32, #tpu.memory_space<vmem>>, vector<1024x1024xf32>
    %slice3A = vector.extract_strided_slice %get3A_10 {offsets = [0, 0], sizes = [512, 1024], strides = [1, 1]} : vector<1024x1024xf32> to vector<512x1024xf32>
    %convert_element_type3A_11 = arith.truncf %slice3A : vector<512x1024xf32> to vector<512x1024xbf16>
    %dot_general3A = arith.constant dense<0.000000e+00> : vector<256x1024xf32>
    %dot_general3A_12 = tpu.matmul %convert_element_type3A, %convert_element_type3A_11, %dot_general3A {dimension_numbers = #tpu.dot_dimension_numbers<[1], [0], [0], [1], [0, 0, 1, 1], [], []>, transpose_lhs_hint = false} : vector<256x512xbf16>, vector<512x1024xbf16>, vector<256x1024xf32> -> vector<256x1024xf32>
    %slice3A_13 = vector.extract_strided_slice %get3A_10 {offsets = [512, 0], sizes = [512, 1024], strides = [1, 1]} : vector<1024x1024xf32> to vector<512x1024xf32>
    %convert_element_type3A_14 = arith.truncf %slice3A_13 : vector<512x1024xf32> to vector<512x1024xbf16>
    %dot_general3A_15 = arith.constant dense<0.000000e+00> : vector<256x1024xf32>
    %dot_general3A_16 = tpu.matmul %convert_element_type3A_7, %convert_element_type3A_14, %dot_general3A_15 {dimension_numbers = #tpu.dot_dimension_numbers<[1], [0], [0], [1], [0, 0, 1, 1], [], []>, transpose_lhs_hint = false} : vector<256x512xbf16>, vector<512x1024xbf16>, vector<256x1024xf32> -> vector<256x1024xf32>
    %add3A = arith.addf %dot_general3A_12, %dot_general3A_16 : vector<256x1024xf32>
    %slice3A_17 = vector.extract_strided_slice %add3A {offsets = [0, 0], sizes = [256, 512], strides = [1, 1]} : vector<256x1024xf32> to vector<256x512xf32>
    %slice3A_18 = vector.extract_strided_slice %add3A {offsets = [0, 512], sizes = [256, 512], strides = [1, 1]} : vector<256x1024xf32> to vector<256x512xf32>
    %logistic3A = arith.negf %slice3A_17 : vector<256x512xf32>
    %logistic3A_19 = math.exp %logistic3A : vector<256x512xf32>
    %logistic3A_20 = arith.constant 1.000000e+00 : f32
    %logistic3A_21 = vector.broadcast %logistic3A_20 : f32 to vector<256x512xf32>
    %logistic3A_22 = arith.addf %logistic3A_21, %logistic3A_19 : vector<256x512xf32>
    %logistic3A_23 = arith.divf %logistic3A_21, %logistic3A_22 : vector<256x512xf32>
    %mul3A = arith.mulf %slice3A_17, %logistic3A_23 : vector<256x512xf32>
    %mul3A_24 = arith.mulf %mul3A, %slice3A_18 : vector<256x512xf32>
    %convert_element_type3A_25 = arith.truncf %mul3A_24 : vector<256x512xf32> to vector<256x512xbf16>
    %get3A_26 = arith.constant 0 : index
    %get3A_27 = arith.constant 0 : index
    %get3A_28 = vector.load %arg3[%get3A_26, %get3A_27] : memref<512x1024xf32, #tpu.memory_space<vmem>>, vector<512x1024xf32>
    %convert_element_type3A_29 = arith.truncf %get3A_28 : vector<512x1024xf32> to vector<512x1024xbf16>
    %dot_general3A_30 = arith.constant dense<0.000000e+00> : vector<256x1024xf32>
    %dot_general3A_31 = tpu.matmul %convert_element_type3A_25, %convert_element_type3A_29, %dot_general3A_30 {dimension_numbers = #tpu.dot_dimension_numbers<[1], [0], [0], [1], [0, 0, 1, 1], [], []>, transpose_lhs_hint = false} : vector<256x512xbf16>, vector<512x1024xbf16>, vector<256x1024xf32> -> vector<256x1024xf32>
    %get3A_32 = arith.constant 0 : index
    %get3A_33 = arith.constant 0 : index
    %get3A_34 = arith.constant 0 : index
    %get3A_35 = vector.load %arg4[%get3A_32, %get3A_33, %get3A_34] : memref<1x256x512xi32, #tpu.memory_space<vmem>>, vector<1x256x512xi32>
    %get3A_36 = vector.shape_cast %get3A_35 : vector<1x256x512xi32> to vector<256x512xi32>
    %get3A_37 = arith.constant 0 : index
    %get3A_38 = arith.constant 0 : index
    %get3A_39 = arith.constant 0 : index
    %get3A_40 = vector.load %arg5[%get3A_37, %get3A_38, %get3A_39] : memref<1x256x512xi32, #tpu.memory_space<vmem>>, vector<1x256x512xi32>
    %get3A_41 = vector.shape_cast %get3A_40 : vector<1x256x512xi32> to vector<256x512xi32>
    %get3A_42 = arith.constant 0 : index
    %get3A_43 = arith.constant 0 : index
    %get3A_44 = arith.constant 0 : index
    %get3A_45 = vector.load %arg6[%get3A_42, %get3A_43, %get3A_44] : memref<2x256x16xf32, #tpu.memory_space<vmem>>, vector<1x256x1xf32>
    %get3A_46 = vector.shape_cast %get3A_45 : vector<1x256x1xf32> to vector<256x1xf32>
    %get3A_47 = arith.constant 1 : index
    %get3A_48 = arith.constant 0 : index
    %get3A_49 = arith.constant 0 : index
    %get3A_50 = vector.load %arg6[%get3A_47, %get3A_48, %get3A_49] : memref<2x256x16xf32, #tpu.memory_space<vmem>>, vector<1x256x1xf32>
    %get3A_51 = vector.shape_cast %get3A_50 : vector<1x256x1xf32> to vector<256x1xf32>
    %shift_left3A_52 = arith.constant 16 : i32
    %shift_left3A_53 = vector.broadcast %shift_left3A_52 : i32 to vector<256x512xi32>
    %shift_left3A_54 = arith.shli %get3A_36, %shift_left3A_53 : vector<256x512xi32>
    %bitcast_convert_type3A_55 = tpu.bitcast %shift_left3A_54 : vector<256x512xi32> -> vector<256x512xf32>
    %mul3A_56 = vector.broadcast %get3A_46 : vector<256x1xf32> to vector<256x512xf32>
    %mul3A_57 = arith.mulf %bitcast_convert_type3A_55, %mul3A_56 : vector<256x512xf32>
    %shift_left3A_58 = arith.constant 16 : i32
    %shift_left3A_59 = vector.broadcast %shift_left3A_58 : i32 to vector<256x512xi32>
    %shift_left3A_60 = arith.shli %get3A_41, %shift_left3A_59 : vector<256x512xi32>
    %bitcast_convert_type3A_61 = tpu.bitcast %shift_left3A_60 : vector<256x512xi32> -> vector<256x512xf32>
    %mul3A_62 = vector.broadcast %get3A_51 : vector<256x1xf32> to vector<256x512xf32>
    %mul3A_63 = arith.mulf %bitcast_convert_type3A_61, %mul3A_62 : vector<256x512xf32>
    %add3A_64 = arith.addf %mul3A_57, %mul3A_63 : vector<256x512xf32>
    %and3A_65 = arith.constant -65536 : i32
    %and3A_66 = vector.broadcast %and3A_65 : i32 to vector<256x512xi32>
    %and3A_67 = arith.andi %get3A_36, %and3A_66 : vector<256x512xi32>
    %bitcast_convert_type3A_68 = tpu.bitcast %and3A_67 : vector<256x512xi32> -> vector<256x512xf32>
    %mul3A_69 = vector.broadcast %get3A_46 : vector<256x1xf32> to vector<256x512xf32>
    %mul3A_70 = arith.mulf %bitcast_convert_type3A_68, %mul3A_69 : vector<256x512xf32>
    %and3A_71 = arith.constant -65536 : i32
    %and3A_72 = vector.broadcast %and3A_71 : i32 to vector<256x512xi32>
    %and3A_73 = arith.andi %get3A_41, %and3A_72 : vector<256x512xi32>
    %bitcast_convert_type3A_74 = tpu.bitcast %and3A_73 : vector<256x512xi32> -> vector<256x512xf32>
    %mul3A_75 = vector.broadcast %get3A_51 : vector<256x1xf32> to vector<256x512xf32>
    %mul3A_76 = arith.mulf %bitcast_convert_type3A_74, %mul3A_75 : vector<256x512xf32>
    %add3A_77 = arith.addf %mul3A_70, %mul3A_76 : vector<256x512xf32>
    %concatenate3A = tpu.concatenate %add3A_64, %add3A_77 in 1 : vector<256x512xf32>, vector<256x512xf32> -> vector<256x1024xf32>
    %add3A_78 = arith.addf %concatenate3A, %dot_general3A_31 : vector<256x1024xf32>
    %swap3A = arith.constant 0 : index
    %swap3A_79 = arith.constant 0 : index
    %swap3A_80 = vector.load %arg7[%swap3A, %swap3A_79] : memref<256x1024xf32, #tpu.memory_space<vmem>>, vector<256x1024xf32>
    tpu.vector_store %arg7[%swap3A, %swap3A_79], %add3A_78 {strides = array<i32>} : memref<256x1024xf32, #tpu.memory_space<vmem>>, vector<256x1024xf32>,
    return
  }
  func.func @transform_0(%arg0: i32) -> (i32, i32) {
    %c0_i32 = arith.constant 0 : i32
    %c0_i32_0 = arith.constant 0 : i32
    return %arg0, %c0_i32 : i32, i32
  }
  func.func @transform_1(%arg0: i32) -> (i32, i32) {
    %c0_i32 = arith.constant 0 : i32
    %c0_i32_0 = arith.constant 0 : i32
    %c0_i32_1 = arith.constant 0 : i32
    return %c0_i32, %c0_i32_0 : i32, i32
  }
  func.func @transform_2(%arg0: i32) -> (i32, i32) {
    %c0_i32 = arith.constant 0 : i32
    %c0_i32_0 = arith.constant 0 : i32
    %c0_i32_1 = arith.constant 0 : i32
    return %c0_i32, %c0_i32_0 : i32, i32
  }
  func.func @transform_3(%arg0: i32) -> (i32, i32, i32) {
    %c0_i32 = arith.constant 0 : i32
    %c0_i32_0 = arith.constant 0 : i32
    %c0_i32_1 = arith.constant 0 : i32
    return %c0_i32, %arg0, %c0_i32_0 : i32, i32, i32
  }
  func.func @transform_4(%arg0: i32) -> (i32, i32, i32) {
    %c1_i32 = arith.constant 1 : i32
    %c0_i32 = arith.constant 0 : i32
    %c0_i32_0 = arith.constant 0 : i32
    return %c1_i32, %arg0, %c0_i32 : i32, i32, i32
  }
  func.func @transform_5(%arg0: i32) -> (i32, i32, i32) {
    %c0_i32 = arith.constant 0 : i32
    %c0_i32_0 = arith.constant 0 : i32
    %c0_i32_1 = arith.constant 0 : i32
    return %c0_i32, %arg0, %c0_i32_0 : i32, i32, i32
  }
  func.func @transform_6(%arg0: i32) -> (i32, i32) {
    %c0_i32 = arith.constant 0 : i32
    %c0_i32_0 = arith.constant 0 : i32
    return %arg0, %c0_i32 : i32, i32
  }
}

module attributes {stable_mosaic.version = 14 : i64} {
  func.func @_router_body(%arg0: memref<2048x1024xf32, #tpu.memory_space<vmem>>, %arg1: memref<64x1024xf32, #tpu.memory_space<vmem>>, %arg2: memref<1x64xf32, #tpu.memory_space<vmem>>, %arg3: memref<2x2048xi32, #tpu.memory_space<vmem>>, %arg4: memref<2x2048x16xf32, #tpu.memory_space<vmem>>, %arg5: memref<2048x512xi32, #tpu.memory_space<vmem>>) attributes {dimension_semantics = [], scalar_prefetch = 0 : i64, scratch_operands = 0 : i64, tpu.core_type = #tpu.core_type<tc>} {
    %get3A = arith.constant 0 : index
    %get3A_0 = arith.constant 0 : index
    %get3A_1 = vector.load %arg0[%get3A, %get3A_0] : memref<2048x1024xf32, #tpu.memory_space<vmem>>, vector<2048x1024xf32>
    %slice3A = vector.extract_strided_slice %get3A_1 {offsets = [0, 0], sizes = [2048, 512], strides = [1, 1]} : vector<2048x1024xf32> to vector<2048x512xf32>
    %slice3A_2 = vector.extract_strided_slice %get3A_1 {offsets = [0, 512], sizes = [2048, 512], strides = [1, 1]} : vector<2048x1024xf32> to vector<2048x512xf32>
    %bitcast_convert_type3A = tpu.bitcast %slice3A : vector<2048x512xf32> -> vector<2048x512xi32>
    %add3A = arith.constant 32767 : i32
    %add3A_3 = vector.broadcast %add3A : i32 to vector<2048x512xi32>
    %add3A_4 = arith.addi %bitcast_convert_type3A, %add3A_3 : vector<2048x512xi32>
    %shift_right_logical3A = arith.constant 16 : i32
    %shift_right_logical3A_5 = vector.broadcast %shift_right_logical3A : i32 to vector<2048x512xi32>
    %shift_right_logical3A_6 = arith.shrui %bitcast_convert_type3A, %shift_right_logical3A_5 : vector<2048x512xi32>
    %and3A = arith.constant 1 : i32
    %and3A_7 = vector.broadcast %and3A : i32 to vector<2048x512xi32>
    %and3A_8 = arith.andi %shift_right_logical3A_6, %and3A_7 : vector<2048x512xi32>
    %add3A_9 = arith.addi %add3A_4, %and3A_8 : vector<2048x512xi32>
    %and3A_10 = arith.constant -65536 : i32
    %and3A_11 = vector.broadcast %and3A_10 : i32 to vector<2048x512xi32>
    %and3A_12 = arith.andi %add3A_9, %and3A_11 : vector<2048x512xi32>
    %shift_right_logical3A_13 = arith.constant 16 : i32
    %shift_right_logical3A_14 = vector.broadcast %shift_right_logical3A_13 : i32 to vector<2048x512xi32>
    %shift_right_logical3A_15 = arith.shrui %and3A_12, %shift_right_logical3A_14 : vector<2048x512xi32>
    %bitcast_convert_type3A_16 = tpu.bitcast %slice3A_2 : vector<2048x512xf32> -> vector<2048x512xi32>
    %add3A_17 = arith.constant 32767 : i32
    %add3A_18 = vector.broadcast %add3A_17 : i32 to vector<2048x512xi32>
    %add3A_19 = arith.addi %bitcast_convert_type3A_16, %add3A_18 : vector<2048x512xi32>
    %shift_right_logical3A_20 = arith.constant 16 : i32
    %shift_right_logical3A_21 = vector.broadcast %shift_right_logical3A_20 : i32 to vector<2048x512xi32>
    %shift_right_logical3A_22 = arith.shrui %bitcast_convert_type3A_16, %shift_right_logical3A_21 : vector<2048x512xi32>
    %and3A_23 = arith.constant 1 : i32
    %and3A_24 = vector.broadcast %and3A_23 : i32 to vector<2048x512xi32>
    %and3A_25 = arith.andi %shift_right_logical3A_22, %and3A_24 : vector<2048x512xi32>
    %add3A_26 = arith.addi %add3A_19, %and3A_25 : vector<2048x512xi32>
    %and3A_27 = arith.constant -65536 : i32
    %and3A_28 = vector.broadcast %and3A_27 : i32 to vector<2048x512xi32>
    %and3A_29 = arith.andi %add3A_26, %and3A_28 : vector<2048x512xi32>
    %or3A = arith.ori %and3A_29, %shift_right_logical3A_15 : vector<2048x512xi32>
    %swap3A = arith.constant 0 : index
    %swap3A_30 = arith.constant 0 : index
    %swap3A_31 = vector.load %arg5[%swap3A, %swap3A_30] : memref<2048x512xi32, #tpu.memory_space<vmem>>, vector<2048x512xi32>
    tpu.vector_store %arg5[%swap3A, %swap3A_30], %or3A {strides = array<i32>} : memref<2048x512xi32, #tpu.memory_space<vmem>>, vector<2048x512xi32>,
    %get3A_32 = arith.constant 0 : index
    %get3A_33 = arith.constant 0 : index
    %get3A_34 = vector.load %arg1[%get3A_32, %get3A_33] : memref<64x1024xf32, #tpu.memory_space<vmem>>, vector<64x1024xf32>
    %dot_general3A = arith.constant dense<0.000000e+00> : vector<2048x64xf32>
    %dot_general3A_35 = tpu.matmul %get3A_1, %get3A_34, %dot_general3A {dimension_numbers = #tpu.dot_dimension_numbers<[1], [1], [0], [0], [0, 0, 1, 0], [], []>, transpose_lhs_hint = false} : vector<2048x1024xf32>, vector<64x1024xf32>, vector<2048x64xf32> -> vector<2048x64xf32>
    %logistic3A = arith.negf %dot_general3A_35 : vector<2048x64xf32>
    %logistic3A_36 = math.exp %logistic3A : vector<2048x64xf32>
    %logistic3A_37 = arith.constant 1.000000e+00 : f32
    %logistic3A_38 = vector.broadcast %logistic3A_37 : f32 to vector<2048x64xf32>
    %logistic3A_39 = arith.addf %logistic3A_38, %logistic3A_36 : vector<2048x64xf32>
    %logistic3A_40 = arith.divf %logistic3A_38, %logistic3A_39 : vector<2048x64xf32>
    %get3A_41 = arith.constant 0 : index
    %get3A_42 = arith.constant 0 : index
    %get3A_43 = vector.load %arg2[%get3A_41, %get3A_42] : memref<1x64xf32, #tpu.memory_space<vmem>>, vector<1x64xf32>
    %add3A_44 = vector.broadcast %get3A_43 : vector<1x64xf32> to vector<2048x64xf32>
    %add3A_45 = arith.addf %logistic3A_40, %add3A_44 : vector<2048x64xf32>
    %iota3A = tpu.iota {dimensions = array<i32: 1>} : vector<2048x64xi32>
    %reduce_max3A = arith.constant dense<0xFF800000> : vector<2048xf32>
    %reduce_max3A_46 = vector.multi_reduction <maximumf>, %add3A_45, %reduce_max3A [1] : vector<2048x64xf32> to vector<2048xf32>
    %broadcast_in_dim3A = vector.shape_cast %reduce_max3A_46 : vector<2048xf32> to vector<2048x1xf32>
    %eq3A = vector.broadcast %broadcast_in_dim3A : vector<2048x1xf32> to vector<2048x64xf32>
    %eq3A_47 = arith.cmpf oeq, %add3A_45, %eq3A : vector<2048x64xf32>
    %jit3A = arith.constant 64 : i32
    %broadcast_in_dim3A_48 = vector.broadcast %jit3A : i32 to vector<2048x64xi32>
    %select_n3A = arith.select %eq3A_47, %iota3A, %broadcast_in_dim3A_48 : vector<2048x64xi1>, vector<2048x64xi32>
    %reduce_min3A = arith.constant dense<2147483647> : vector<2048xi32>
    %reduce_min3A_49 = vector.multi_reduction <minsi>, %select_n3A, %reduce_min3A [1] : vector<2048x64xi32> to vector<2048xi32>
    %broadcast_in_dim3A_50 = vector.shape_cast %reduce_min3A_49 : vector<2048xi32> to vector<2048x1xi32>
    %eq3A_51 = vector.broadcast %broadcast_in_dim3A_50 : vector<2048x1xi32> to vector<2048x64xi32>
    %eq3A_52 = arith.cmpi eq, %iota3A, %eq3A_51 : vector<2048x64xi32>
    %jit3A_53 = arith.constant 0xFF800000 : f32
    %broadcast_in_dim3A_54 = vector.broadcast %jit3A_53 : f32 to vector<2048x64xf32>
    %select_n3A_55 = arith.select %eq3A_52, %broadcast_in_dim3A_54, %add3A_45 : vector<2048x64xi1>, vector<2048x64xf32>
    %reduce_max3A_56 = arith.constant dense<0xFF800000> : vector<2048xf32>
    %reduce_max3A_57 = vector.multi_reduction <maximumf>, %select_n3A_55, %reduce_max3A_56 [1] : vector<2048x64xf32> to vector<2048xf32>
    %broadcast_in_dim3A_58 = vector.shape_cast %reduce_max3A_57 : vector<2048xf32> to vector<2048x1xf32>
    %eq3A_59 = vector.broadcast %broadcast_in_dim3A_58 : vector<2048x1xf32> to vector<2048x64xf32>
    %eq3A_60 = arith.cmpf oeq, %select_n3A_55, %eq3A_59 : vector<2048x64xf32>
    %jit3A_61 = arith.constant 64 : i32
    %broadcast_in_dim3A_62 = vector.broadcast %jit3A_61 : i32 to vector<2048x64xi32>
    %select_n3A_63 = arith.select %eq3A_60, %iota3A, %broadcast_in_dim3A_62 : vector<2048x64xi1>, vector<2048x64xi32>
    %reduce_min3A_64 = arith.constant dense<2147483647> : vector<2048xi32>
    %reduce_min3A_65 = vector.multi_reduction <minsi>, %select_n3A_63, %reduce_min3A_64 [1] : vector<2048x64xi32> to vector<2048xi32>
    %broadcast_in_dim3A_66 = vector.shape_cast %reduce_min3A_65 : vector<2048xi32> to vector<2048x1xi32>
    %eq3A_67 = vector.broadcast %broadcast_in_dim3A_66 : vector<2048x1xi32> to vector<2048x64xi32>
    %eq3A_68 = arith.cmpi eq, %iota3A, %eq3A_67 : vector<2048x64xi32>
    %jit3A_69 = arith.constant 0.000000e+00 : f32
    %broadcast_in_dim3A_70 = vector.broadcast %jit3A_69 : f32 to vector<2048x64xf32>
    %select_n3A_71 = arith.select %eq3A_52, %logistic3A_40, %broadcast_in_dim3A_70 : vector<2048x64xi1>, vector<2048x64xf32>
    %reduce_sum3A = arith.constant dense<0.000000e+00> : vector<2048xf32>
    %reduce_sum3A_72 = vector.multi_reduction <add>, %select_n3A_71, %reduce_sum3A [1] : vector<2048x64xf32> to vector<2048xf32>
    %broadcast_in_dim3A_73 = vector.shape_cast %reduce_sum3A_72 : vector<2048xf32> to vector<2048x1xf32>
    %jit3A_74 = arith.constant 0.000000e+00 : f32
    %broadcast_in_dim3A_75 = vector.broadcast %jit3A_74 : f32 to vector<2048x64xf32>
    %select_n3A_76 = arith.select %eq3A_68, %logistic3A_40, %broadcast_in_dim3A_75 : vector<2048x64xi1>, vector<2048x64xf32>
    %reduce_sum3A_77 = arith.constant dense<0.000000e+00> : vector<2048xf32>
    %reduce_sum3A_78 = vector.multi_reduction <add>, %select_n3A_76, %reduce_sum3A_77 [1] : vector<2048x64xf32> to vector<2048xf32>
    %broadcast_in_dim3A_79 = vector.shape_cast %reduce_sum3A_78 : vector<2048xf32> to vector<2048x1xf32>
    %add3A_80 = arith.addf %broadcast_in_dim3A_73, %broadcast_in_dim3A_79 : vector<2048x1xf32>
    %convert_element_type3A = arith.extui %eq3A_52 : vector<2048x64xi1> to vector<2048x64xi32>
    %convert_element_type3A_81 = arith.extui %eq3A_68 : vector<2048x64xi1> to vector<2048x64xi32>
    %add3A_82 = arith.addi %convert_element_type3A, %convert_element_type3A_81 : vector<2048x64xi32>
    %broadcast_in_dim3A_83 = arith.constant 0 : i32
    %broadcast_in_dim3A_84 = vector.broadcast %broadcast_in_dim3A_83 : i32 to vector<1x64xi32>
    %slice3A_85 = vector.extract_strided_slice %add3A_82 {offsets = [0, 0], sizes = [2047, 64], strides = [1, 1]} : vector<2048x64xi32> to vector<2047x64xi32>
    %concatenate3A = tpu.concatenate %broadcast_in_dim3A_84, %slice3A_85 in 0 : vector<1x64xi32>, vector<2047x64xi32> -> vector<2048x64xi32>
    %add3A_86 = arith.addi %add3A_82, %concatenate3A : vector<2048x64xi32>
    %broadcast_in_dim3A_87 = arith.constant 0 : i32
    %broadcast_in_dim3A_88 = vector.broadcast %broadcast_in_dim3A_87 : i32 to vector<2x64xi32>
    %slice3A_89 = vector.extract_strided_slice %add3A_86 {offsets = [0, 0], sizes = [2046, 64], strides = [1, 1]} : vector<2048x64xi32> to vector<2046x64xi32>
    %concatenate3A_90 = tpu.concatenate %broadcast_in_dim3A_88, %slice3A_89 in 0 : vector<2x64xi32>, vector<2046x64xi32> -> vector<2048x64xi32>
    %add3A_91 = arith.addi %add3A_86, %concatenate3A_90 : vector<2048x64xi32>
    %broadcast_in_dim3A_92 = arith.constant 0 : i32
    %broadcast_in_dim3A_93 = vector.broadcast %broadcast_in_dim3A_92 : i32 to vector<4x64xi32>
    %slice3A_94 = vector.extract_strided_slice %add3A_91 {offsets = [0, 0], sizes = [2044, 64], strides = [1, 1]} : vector<2048x64xi32> to vector<2044x64xi32>
    %concatenate3A_95 = tpu.concatenate %broadcast_in_dim3A_93, %slice3A_94 in 0 : vector<4x64xi32>, vector<2044x64xi32> -> vector<2048x64xi32>
    %add3A_96 = arith.addi %add3A_91, %concatenate3A_95 : vector<2048x64xi32>
    %broadcast_in_dim3A_97 = arith.constant 0 : i32
    %broadcast_in_dim3A_98 = vector.broadcast %broadcast_in_dim3A_97 : i32 to vector<8x64xi32>
    %slice3A_99 = vector.extract_strided_slice %add3A_96 {offsets = [0, 0], sizes = [2040, 64], strides = [1, 1]} : vector<2048x64xi32> to vector<2040x64xi32>
    %concatenate3A_100 = tpu.concatenate %broadcast_in_dim3A_98, %slice3A_99 in 0 : vector<8x64xi32>, vector<2040x64xi32> -> vector<2048x64xi32>
    %add3A_101 = arith.addi %add3A_96, %concatenate3A_100 : vector<2048x64xi32>
    %broadcast_in_dim3A_102 = arith.constant 0 : i32
    %broadcast_in_dim3A_103 = vector.broadcast %broadcast_in_dim3A_102 : i32 to vector<16x64xi32>
    %slice3A_104 = vector.extract_strided_slice %add3A_101 {offsets = [0, 0], sizes = [2032, 64], strides = [1, 1]} : vector<2048x64xi32> to vector<2032x64xi32>
    %concatenate3A_105 = tpu.concatenate %broadcast_in_dim3A_103, %slice3A_104 in 0 : vector<16x64xi32>, vector<2032x64xi32> -> vector<2048x64xi32>
    %add3A_106 = arith.addi %add3A_101, %concatenate3A_105 : vector<2048x64xi32>
    %broadcast_in_dim3A_107 = arith.constant 0 : i32
    %broadcast_in_dim3A_108 = vector.broadcast %broadcast_in_dim3A_107 : i32 to vector<32x64xi32>
    %slice3A_109 = vector.extract_strided_slice %add3A_106 {offsets = [0, 0], sizes = [2016, 64], strides = [1, 1]} : vector<2048x64xi32> to vector<2016x64xi32>
    %concatenate3A_110 = tpu.concatenate %broadcast_in_dim3A_108, %slice3A_109 in 0 : vector<32x64xi32>, vector<2016x64xi32> -> vector<2048x64xi32>
    %add3A_111 = arith.addi %add3A_106, %concatenate3A_110 : vector<2048x64xi32>
    %broadcast_in_dim3A_112 = arith.constant 0 : i32
    %broadcast_in_dim3A_113 = vector.broadcast %broadcast_in_dim3A_112 : i32 to vector<64x64xi32>
    %slice3A_114 = vector.extract_strided_slice %add3A_111 {offsets = [0, 0], sizes = [1984, 64], strides = [1, 1]} : vector<2048x64xi32> to vector<1984x64xi32>
    %concatenate3A_115 = tpu.concatenate %broadcast_in_dim3A_113, %slice3A_114 in 0 : vector<64x64xi32>, vector<1984x64xi32> -> vector<2048x64xi32>
    %add3A_116 = arith.addi %add3A_111, %concatenate3A_115 : vector<2048x64xi32>
    %broadcast_in_dim3A_117 = arith.constant 0 : i32
    %broadcast_in_dim3A_118 = vector.broadcast %broadcast_in_dim3A_117 : i32 to vector<128x64xi32>
    %slice3A_119 = vector.extract_strided_slice %add3A_116 {offsets = [0, 0], sizes = [1920, 64], strides = [1, 1]} : vector<2048x64xi32> to vector<1920x64xi32>
    %concatenate3A_120 = tpu.concatenate %broadcast_in_dim3A_118, %slice3A_119 in 0 : vector<128x64xi32>, vector<1920x64xi32> -> vector<2048x64xi32>
    %add3A_121 = arith.addi %add3A_116, %concatenate3A_120 : vector<2048x64xi32>
    %broadcast_in_dim3A_122 = arith.constant 0 : i32
    %broadcast_in_dim3A_123 = vector.broadcast %broadcast_in_dim3A_122 : i32 to vector<256x64xi32>
    %slice3A_124 = vector.extract_strided_slice %add3A_121 {offsets = [0, 0], sizes = [1792, 64], strides = [1, 1]} : vector<2048x64xi32> to vector<1792x64xi32>
    %concatenate3A_125 = tpu.concatenate %broadcast_in_dim3A_123, %slice3A_124 in 0 : vector<256x64xi32>, vector<1792x64xi32> -> vector<2048x64xi32>
    %add3A_126 = arith.addi %add3A_121, %concatenate3A_125 : vector<2048x64xi32>
    %broadcast_in_dim3A_127 = arith.constant 0 : i32
    %broadcast_in_dim3A_128 = vector.broadcast %broadcast_in_dim3A_127 : i32 to vector<512x64xi32>
    %slice3A_129 = vector.extract_strided_slice %add3A_126 {offsets = [0, 0], sizes = [1536, 64], strides = [1, 1]} : vector<2048x64xi32> to vector<1536x64xi32>
    %concatenate3A_130 = tpu.concatenate %broadcast_in_dim3A_128, %slice3A_129 in 0 : vector<512x64xi32>, vector<1536x64xi32> -> vector<2048x64xi32>
    %add3A_131 = arith.addi %add3A_126, %concatenate3A_130 : vector<2048x64xi32>
    %broadcast_in_dim3A_132 = arith.constant 0 : i32
    %broadcast_in_dim3A_133 = vector.broadcast %broadcast_in_dim3A_132 : i32 to vector<1024x64xi32>
    %slice3A_134 = vector.extract_strided_slice %add3A_131 {offsets = [0, 0], sizes = [1024, 64], strides = [1, 1]} : vector<2048x64xi32> to vector<1024x64xi32>
    %concatenate3A_135 = tpu.concatenate %broadcast_in_dim3A_133, %slice3A_134 in 0 : vector<1024x64xi32>, vector<1024x64xi32> -> vector<2048x64xi32>
    %add3A_136 = arith.addi %add3A_131, %concatenate3A_135 : vector<2048x64xi32>
    %sub3A = arith.subi %add3A_136, %add3A_82 : vector<2048x64xi32>
    %jit3A_137 = arith.constant 0 : i32
    %broadcast_in_dim3A_138 = vector.broadcast %jit3A_137 : i32 to vector<2048x64xi32>
    %select_n3A_139 = arith.select %eq3A_52, %sub3A, %broadcast_in_dim3A_138 : vector<2048x64xi1>, vector<2048x64xi32>
    %reduce_sum3A_140 = arith.constant dense<0> : vector<2048xi32>
    %reduce_sum3A_141 = vector.multi_reduction <add>, %select_n3A_139, %reduce_sum3A_140 [1] : vector<2048x64xi32> to vector<2048xi32>
    %jit3A_142 = arith.constant 0 : i32
    %broadcast_in_dim3A_143 = vector.broadcast %jit3A_142 : i32 to vector<2048x64xi32>
    %select_n3A_144 = arith.select %eq3A_68, %sub3A, %broadcast_in_dim3A_143 : vector<2048x64xi1>, vector<2048x64xi32>
    %reduce_sum3A_145 = arith.constant dense<0> : vector<2048xi32>
    %reduce_sum3A_146 = vector.multi_reduction <add>, %select_n3A_144, %reduce_sum3A_145 [1] : vector<2048x64xi32> to vector<2048xi32>
    %jit3A_147 = arith.constant 64 : i32
    %broadcast_in_dim3A_148 = vector.broadcast %jit3A_147 : i32 to vector<2048x64xi32>
    %select_n3A_149 = arith.select %eq3A_52, %iota3A, %broadcast_in_dim3A_148 : vector<2048x64xi1>, vector<2048x64xi32>
    %reduce_min3A_150 = arith.constant dense<2147483647> : vector<2048xi32>
    %reduce_min3A_151 = vector.multi_reduction <minsi>, %select_n3A_149, %reduce_min3A_150 [1] : vector<2048x64xi32> to vector<2048xi32>
    %jit3A_152 = arith.constant 64 : i32
    %broadcast_in_dim3A_153 = vector.broadcast %jit3A_152 : i32 to vector<2048x64xi32>
    %select_n3A_154 = arith.select %eq3A_68, %iota3A, %broadcast_in_dim3A_153 : vector<2048x64xi1>, vector<2048x64xi32>
    %reduce_min3A_155 = arith.constant dense<2147483647> : vector<2048xi32>
    %reduce_min3A_156 = vector.multi_reduction <minsi>, %select_n3A_154, %reduce_min3A_155 [1] : vector<2048x64xi32> to vector<2048xi32>
    %lt3A = arith.constant 192 : i32
    %lt3A_157 = vector.broadcast %lt3A : i32 to vector<2048xi32>
    %lt3A_158 = arith.cmpi slt, %reduce_sum3A_141, %lt3A_157 : vector<2048xi32>
    %mul3A = arith.constant 192 : i32
    %mul3A_159 = vector.broadcast %mul3A : i32 to vector<2048xi32>
    %mul3A_160 = arith.muli %reduce_min3A_151, %mul3A_159 : vector<2048xi32>
    %add3A_161 = arith.addi %mul3A_160, %reduce_sum3A_141 : vector<2048xi32>
    %jit3A_162 = arith.constant 12288 : i32
    %broadcast_in_dim3A_163 = vector.broadcast %jit3A_162 : i32 to vector<2048xi32>
    %select_n3A_164 = arith.select %lt3A_158, %add3A_161, %broadcast_in_dim3A_163 : vector<2048xi1>, vector<2048xi32>
    %lt3A_165 = arith.constant 192 : i32
    %lt3A_166 = vector.broadcast %lt3A_165 : i32 to vector<2048xi32>
    %lt3A_167 = arith.cmpi slt, %reduce_sum3A_146, %lt3A_166 : vector<2048xi32>
    %mul3A_168 = arith.constant 192 : i32
    %mul3A_169 = vector.broadcast %mul3A_168 : i32 to vector<2048xi32>
    %mul3A_170 = arith.muli %reduce_min3A_156, %mul3A_169 : vector<2048xi32>
    %add3A_171 = arith.addi %mul3A_170, %reduce_sum3A_146 : vector<2048xi32>
    %jit3A_172 = arith.constant 12288 : i32
    %broadcast_in_dim3A_173 = vector.broadcast %jit3A_172 : i32 to vector<2048xi32>
    %select_n3A_174 = arith.select %lt3A_167, %add3A_171, %broadcast_in_dim3A_173 : vector<2048xi1>, vector<2048xi32>
    %broadcast_in_dim3A_175 = vector.shape_cast %select_n3A_164 : vector<2048xi32> to vector<1x2048xi32>
    %swap3A_176 = arith.constant 0 : index
    %swap3A_177 = arith.constant 0 : index
    %swap3A_178 = vector.load %arg3[%swap3A_176, %swap3A_177] : memref<2x2048xi32, #tpu.memory_space<vmem>>, vector<1x2048xi32>
    tpu.vector_store %arg3[%swap3A_176, %swap3A_177], %broadcast_in_dim3A_175 {strides = array<i32>} : memref<2x2048xi32, #tpu.memory_space<vmem>>, vector<1x2048xi32>,
    %broadcast_in_dim3A_179 = vector.shape_cast %select_n3A_174 : vector<2048xi32> to vector<1x2048xi32>
    %swap3A_180 = arith.constant 1 : index
    %swap3A_181 = arith.constant 0 : index
    %swap3A_182 = vector.load %arg3[%swap3A_180, %swap3A_181] : memref<2x2048xi32, #tpu.memory_space<vmem>>, vector<1x2048xi32>
    tpu.vector_store %arg3[%swap3A_180, %swap3A_181], %broadcast_in_dim3A_179 {strides = array<i32>} : memref<2x2048xi32, #tpu.memory_space<vmem>>, vector<1x2048xi32>,
    %div3A = arith.divf %broadcast_in_dim3A_73, %add3A_80 : vector<2048x1xf32>
    %broadcast_in_dim3A_183 = vector.shape_cast %div3A : vector<2048x1xf32> to vector<2048x1xf32>
    %broadcast_in_dim3A_184 = vector.broadcast %broadcast_in_dim3A_183 : vector<2048x1xf32> to vector<2048x16xf32>
    %broadcast_in_dim3A_185 = vector.shape_cast %broadcast_in_dim3A_184 : vector<2048x16xf32> to vector<1x2048x16xf32>
    %swap3A_186 = arith.constant 0 : index
    %swap3A_187 = arith.constant 0 : index
    %swap3A_188 = arith.constant 0 : index
    %swap3A_189 = vector.load %arg4[%swap3A_186, %swap3A_187, %swap3A_188] : memref<2x2048x16xf32, #tpu.memory_space<vmem>>, vector<1x2048x16xf32>
    tpu.vector_store %arg4[%swap3A_186, %swap3A_187, %swap3A_188], %broadcast_in_dim3A_185 {strides = array<i32>} : memref<2x2048x16xf32, #tpu.memory_space<vmem>>, vector<1x2048x16xf32>,
    %div3A_190 = arith.divf %broadcast_in_dim3A_79, %add3A_80 : vector<2048x1xf32>
    %broadcast_in_dim3A_191 = vector.shape_cast %div3A_190 : vector<2048x1xf32> to vector<2048x1xf32>
    %broadcast_in_dim3A_192 = vector.broadcast %broadcast_in_dim3A_191 : vector<2048x1xf32> to vector<2048x16xf32>
    %broadcast_in_dim3A_193 = vector.shape_cast %broadcast_in_dim3A_192 : vector<2048x16xf32> to vector<1x2048x16xf32>
    %swap3A_194 = arith.constant 1 : index
    %swap3A_195 = arith.constant 0 : index
    %swap3A_196 = arith.constant 0 : index
    %swap3A_197 = vector.load %arg4[%swap3A_194, %swap3A_195, %swap3A_196] : memref<2x2048x16xf32, #tpu.memory_space<vmem>>, vector<1x2048x16xf32>
    tpu.vector_store %arg4[%swap3A_194, %swap3A_195, %swap3A_196], %broadcast_in_dim3A_193 {strides = array<i32>} : memref<2x2048x16xf32, #tpu.memory_space<vmem>>, vector<1x2048x16xf32>,
    return
  }
}

module attributes {stable_mosaic.version = 14 : i64} {
  func.func @_experts_body(%arg0: i32, %arg1: memref<192x512xi32, #tpu.memory_space<vmem>>, %arg2: memref<1x1024x1024xf32, #tpu.memory_space<vmem>>, %arg3: memref<1x512x1024xf32, #tpu.memory_space<vmem>>, %arg4: memref<192x512xi32, #tpu.memory_space<vmem>>) attributes {dimension_semantics = [#tpu.dimension_semantics<arbitrary>], iteration_bounds = array<i64: 65>, scalar_prefetch = 0 : i64, scratch_operands = 0 : i64, tpu.core_type = #tpu.core_type<tc>, window_params = [{transform_indices = @transform_0, window_bounds = array<i64: 192, 512>}, {transform_indices = @transform_1, window_bounds = array<i64: 1, 1024, 1024>}, {transform_indices = @transform_2, window_bounds = array<i64: 1, 512, 1024>}, {transform_indices = @transform_3, window_bounds = array<i64: 192, 512>}]} {
    %get3A = arith.constant 0 : index
    %get3A_0 = arith.constant 0 : index
    %get3A_1 = vector.load %arg1[%get3A, %get3A_0] : memref<192x512xi32, #tpu.memory_space<vmem>>, vector<192x512xi32>
    %shift_left3A = arith.constant 16 : i32
    %shift_left3A_2 = vector.broadcast %shift_left3A : i32 to vector<192x512xi32>
    %shift_left3A_3 = arith.shli %get3A_1, %shift_left3A_2 : vector<192x512xi32>
    %bitcast_convert_type3A = tpu.bitcast %shift_left3A_3 : vector<192x512xi32> -> vector<192x512xf32>
    %convert_element_type3A = arith.truncf %bitcast_convert_type3A : vector<192x512xf32> to vector<192x512xbf16>
    %and3A = arith.constant -65536 : i32
    %and3A_4 = vector.broadcast %and3A : i32 to vector<192x512xi32>
    %and3A_5 = arith.andi %get3A_1, %and3A_4 : vector<192x512xi32>
    %bitcast_convert_type3A_6 = tpu.bitcast %and3A_5 : vector<192x512xi32> -> vector<192x512xf32>
    %convert_element_type3A_7 = arith.truncf %bitcast_convert_type3A_6 : vector<192x512xf32> to vector<192x512xbf16>
    %get3A_8 = arith.constant 0 : index
    %get3A_9 = arith.constant 0 : index
    %get3A_10 = arith.constant 0 : index
    %get3A_11 = vector.load %arg2[%get3A_8, %get3A_9, %get3A_10] : memref<1x1024x1024xf32, #tpu.memory_space<vmem>>, vector<1x1024x1024xf32>
    %get3A_12 = vector.shape_cast %get3A_11 : vector<1x1024x1024xf32> to vector<1024x1024xf32>
    %slice3A = vector.extract_strided_slice %get3A_12 {offsets = [0, 0], sizes = [512, 1024], strides = [1, 1]} : vector<1024x1024xf32> to vector<512x1024xf32>
    %convert_element_type3A_13 = arith.truncf %slice3A : vector<512x1024xf32> to vector<512x1024xbf16>
    %slice3A_14 = vector.extract_strided_slice %get3A_12 {offsets = [512, 0], sizes = [512, 1024], strides = [1, 1]} : vector<1024x1024xf32> to vector<512x1024xf32>
    %convert_element_type3A_15 = arith.truncf %slice3A_14 : vector<512x1024xf32> to vector<512x1024xbf16>
    %dot_general3A = arith.constant dense<0.000000e+00> : vector<192x1024xf32>
    %dot_general3A_16 = tpu.matmul %convert_element_type3A, %convert_element_type3A_13, %dot_general3A {dimension_numbers = #tpu.dot_dimension_numbers<[1], [0], [0], [1], [0, 0, 1, 1], [], []>, transpose_lhs_hint = false} : vector<192x512xbf16>, vector<512x1024xbf16>, vector<192x1024xf32> -> vector<192x1024xf32>
    %dot_general3A_17 = arith.constant dense<0.000000e+00> : vector<192x1024xf32>
    %dot_general3A_18 = tpu.matmul %convert_element_type3A_7, %convert_element_type3A_15, %dot_general3A_17 {dimension_numbers = #tpu.dot_dimension_numbers<[1], [0], [0], [1], [0, 0, 1, 1], [], []>, transpose_lhs_hint = false} : vector<192x512xbf16>, vector<512x1024xbf16>, vector<192x1024xf32> -> vector<192x1024xf32>
    %add3A = arith.addf %dot_general3A_16, %dot_general3A_18 : vector<192x1024xf32>
    %slice3A_19 = vector.extract_strided_slice %add3A {offsets = [0, 0], sizes = [192, 512], strides = [1, 1]} : vector<192x1024xf32> to vector<192x512xf32>
    %slice3A_20 = vector.extract_strided_slice %add3A {offsets = [0, 512], sizes = [192, 512], strides = [1, 1]} : vector<192x1024xf32> to vector<192x512xf32>
    %logistic3A = arith.negf %slice3A_19 : vector<192x512xf32>
    %logistic3A_21 = math.exp %logistic3A : vector<192x512xf32>
    %logistic3A_22 = arith.constant 1.000000e+00 : f32
    %logistic3A_23 = vector.broadcast %logistic3A_22 : f32 to vector<192x512xf32>
    %logistic3A_24 = arith.addf %logistic3A_23, %logistic3A_21 : vector<192x512xf32>
    %logistic3A_25 = arith.divf %logistic3A_23, %logistic3A_24 : vector<192x512xf32>
    %mul3A = arith.mulf %slice3A_19, %logistic3A_25 : vector<192x512xf32>
    %mul3A_26 = arith.mulf %mul3A, %slice3A_20 : vector<192x512xf32>
    %convert_element_type3A_27 = arith.truncf %mul3A_26 : vector<192x512xf32> to vector<192x512xbf16>
    %get3A_28 = arith.constant 0 : index
    %get3A_29 = arith.constant 0 : index
    %get3A_30 = arith.constant 0 : index
    %get3A_31 = vector.load %arg3[%get3A_28, %get3A_29, %get3A_30] : memref<1x512x1024xf32, #tpu.memory_space<vmem>>, vector<1x512x1024xf32>
    %get3A_32 = vector.shape_cast %get3A_31 : vector<1x512x1024xf32> to vector<512x1024xf32>
    %convert_element_type3A_33 = arith.truncf %get3A_32 : vector<512x1024xf32> to vector<512x1024xbf16>
    %dot_general3A_34 = arith.constant dense<0.000000e+00> : vector<192x1024xf32>
    %dot_general3A_35 = tpu.matmul %convert_element_type3A_27, %convert_element_type3A_33, %dot_general3A_34 {dimension_numbers = #tpu.dot_dimension_numbers<[1], [0], [0], [1], [0, 0, 1, 1], [], []>, transpose_lhs_hint = false} : vector<192x512xbf16>, vector<512x1024xbf16>, vector<192x1024xf32> -> vector<192x1024xf32>
    %slice3A_36 = vector.extract_strided_slice %dot_general3A_35 {offsets = [0, 0], sizes = [192, 512], strides = [1, 1]} : vector<192x1024xf32> to vector<192x512xf32>
    %slice3A_37 = vector.extract_strided_slice %dot_general3A_35 {offsets = [0, 512], sizes = [192, 512], strides = [1, 1]} : vector<192x1024xf32> to vector<192x512xf32>
    %bitcast_convert_type3A_38 = tpu.bitcast %slice3A_36 : vector<192x512xf32> -> vector<192x512xi32>
    %add3A_39 = arith.constant 32767 : i32
    %add3A_40 = vector.broadcast %add3A_39 : i32 to vector<192x512xi32>
    %add3A_41 = arith.addi %bitcast_convert_type3A_38, %add3A_40 : vector<192x512xi32>
    %shift_right_logical3A = arith.constant 16 : i32
    %shift_right_logical3A_42 = vector.broadcast %shift_right_logical3A : i32 to vector<192x512xi32>
    %shift_right_logical3A_43 = arith.shrui %bitcast_convert_type3A_38, %shift_right_logical3A_42 : vector<192x512xi32>
    %and3A_44 = arith.constant 1 : i32
    %and3A_45 = vector.broadcast %and3A_44 : i32 to vector<192x512xi32>
    %and3A_46 = arith.andi %shift_right_logical3A_43, %and3A_45 : vector<192x512xi32>
    %add3A_47 = arith.addi %add3A_41, %and3A_46 : vector<192x512xi32>
    %and3A_48 = arith.constant -65536 : i32
    %and3A_49 = vector.broadcast %and3A_48 : i32 to vector<192x512xi32>
    %and3A_50 = arith.andi %add3A_47, %and3A_49 : vector<192x512xi32>
    %shift_right_logical3A_51 = arith.constant 16 : i32
    %shift_right_logical3A_52 = vector.broadcast %shift_right_logical3A_51 : i32 to vector<192x512xi32>
    %shift_right_logical3A_53 = arith.shrui %and3A_50, %shift_right_logical3A_52 : vector<192x512xi32>
    %bitcast_convert_type3A_54 = tpu.bitcast %slice3A_37 : vector<192x512xf32> -> vector<192x512xi32>
    %add3A_55 = arith.constant 32767 : i32
    %add3A_56 = vector.broadcast %add3A_55 : i32 to vector<192x512xi32>
    %add3A_57 = arith.addi %bitcast_convert_type3A_54, %add3A_56 : vector<192x512xi32>
    %shift_right_logical3A_58 = arith.constant 16 : i32
    %shift_right_logical3A_59 = vector.broadcast %shift_right_logical3A_58 : i32 to vector<192x512xi32>
    %shift_right_logical3A_60 = arith.shrui %bitcast_convert_type3A_54, %shift_right_logical3A_59 : vector<192x512xi32>
    %and3A_61 = arith.constant 1 : i32
    %and3A_62 = vector.broadcast %and3A_61 : i32 to vector<192x512xi32>
    %and3A_63 = arith.andi %shift_right_logical3A_60, %and3A_62 : vector<192x512xi32>
    %add3A_64 = arith.addi %add3A_57, %and3A_63 : vector<192x512xi32>
    %and3A_65 = arith.constant -65536 : i32
    %and3A_66 = vector.broadcast %and3A_65 : i32 to vector<192x512xi32>
    %and3A_67 = arith.andi %add3A_64, %and3A_66 : vector<192x512xi32>
    %or3A = arith.ori %and3A_67, %shift_right_logical3A_53 : vector<192x512xi32>
    %lt3A = arith.constant 64 : i32
    %lt3A_68 = arith.cmpi slt, %arg0, %lt3A : i32
    %broadcast_in_dim3A = vector.broadcast %lt3A_68 : i1 to vector<192x512xi1>
    %jit3A = arith.constant 0 : i32
    %broadcast_in_dim3A_69 = vector.broadcast %jit3A : i32 to vector<192x512xi32>
    %select_n3A = arith.select %broadcast_in_dim3A, %or3A, %broadcast_in_dim3A_69 : vector<192x512xi1>, vector<192x512xi32>
    %swap3A = arith.constant 0 : index
    %swap3A_70 = arith.constant 0 : index
    %swap3A_71 = vector.load %arg4[%swap3A, %swap3A_70] : memref<192x512xi32, #tpu.memory_space<vmem>>, vector<192x512xi32>
    tpu.vector_store %arg4[%swap3A, %swap3A_70], %select_n3A {strides = array<i32>} : memref<192x512xi32, #tpu.memory_space<vmem>>, vector<192x512xi32>,
    return
  }
  func.func @transform_0(%arg0: i32) -> (i32, i32) {
    %c0_i32 = arith.constant 0 : i32
    %c0_i32_0 = arith.constant 0 : i32
    return %arg0, %c0_i32 : i32, i32
  }
  func.func @transform_1(%arg0: i32) -> (i32, i32, i32) {
    %min3A = arith.constant 63 : i32
    %min3A_0 = arith.minsi %arg0, %min3A : i32
    %c0_i32 = arith.constant 0 : i32
    %c0_i32_1 = arith.constant 0 : i32
    %c0_i32_2 = arith.constant 0 : i32
    return %min3A_0, %c0_i32, %c0_i32_1 : i32, i32, i32
  }
  func.func @transform_2(%arg0: i32) -> (i32, i32, i32) {
    %min3A = arith.constant 63 : i32
    %min3A_0 = arith.minsi %arg0, %min3A : i32
    %c0_i32 = arith.constant 0 : i32
    %c0_i32_1 = arith.constant 0 : i32
    %c0_i32_2 = arith.constant 0 : i32
    return %min3A_0, %c0_i32, %c0_i32_1 : i32, i32, i32
  }
  func.func @transform_3(%arg0: i32) -> (i32, i32) {
    %c0_i32 = arith.constant 0 : i32
    %c0_i32_0 = arith.constant 0 : i32
    return %arg0, %c0_i32 : i32, i32
  }
}

</mosaic_0001>

<sc_bundles>
// kernel: kernel.10.cloned.1.call-start
scs
__scs_entry_jumppad:
0x0: {  	(pc) =	sbr.rel $0x88, $3  }
0x1: {  	(tag) =	ssettag $0x0;
	lr =	simm.s32 $0x1  }
0x2: {  	[smem:$0x3F9A] =	sst lr;
	_ =	strace $0xD0000000  }
0x3: {  	_ = 	snop  }
0x4: {  	_ = 	snop  }
0x5: {  	_ = 	snop  }
0x6: {  	_ = 	snop  }
0x7: {  	_ = 	snop  }
__scs_overlays_trampoline_lowered:
0x8: {  	[smem:$0x3FA9] =	sst s0  }
0x9: {  	[smem:$0x3FAA] =	sst s1  }
0xa: {  	[smem:$0x3FAB] =	sst s2  }
0xb: {  	[smem:$0x3FAC] =	sst s3  }
0xc: {  	[smem:$0x3FAD] =	sst s4  }
0xd: {  	[smem:$0x3FAE] =	sst s5  }
0xe: {  	[smem:$0x3FAF] =	sst s6  }
0xf: {  	[smem:$0x3FB0] =	sst s7  }
0x10: {  	[smem:$0x3FB1] =	sst s8  }
0x11: {  	[smem:$0x3FB2] =	sst s9;
	s0 =	simm.s32 @!p0 $0x0  }
0x12: {  	s1 =	sld [smem:$0x3F98];
	s0 =	simm.s32 @p0 $0x1  }
0x13: {  	[smem:$0x3FB3] =	sst s0;
	s0 =	simm.s32 @!p1 $0x0  }
0x14: {  	s2 =	sld [smem:$0x3F97];
	s0 =	simm.s32 @p1 $0x1  }
0x15: {  	[smem:$0x3FB4] =	sst s0;
	s0 =	simm.s32 @!p2 $0x0  }
0x16: {  	s3 =	sld [smem:$0x3FDB];
	s0 =	simm.s32 @p2 $0x1  }
0x17: {  	s4 =	simm.s32 $0x1BF5;
	[smem:$0x3FB6] =	sst s0  }
0x18: {  	s0 =	sld [smem:$0x3F99];
	_ =	swait.ge [sflag:s4], $0x0  }
0x19: {  	s7 =	sld [smem:$0x3F9A]  }
0x1a: {  	s8 =	sadd.s32 $0xFFFFE003, lr  }
0x1b: {  	s9 =	sadd.s32 $0xFFFFFEF7, lr;
	s5 =	simm.s32 $0xFFFFFFFF;
	p2 =	slt.u32 s8, $0xFFFFF086  }
0x1c: {  	p1 =	slt.u32 s9, $0xF7A;
	s5 =	simm.s32 @!p2 $0x0  }
0x1d: {  	s5 =	simm.s32 @p1 $0x1;
	p0 =	seq.s32 s7, s2  }
0x1e: {  	s7 =	smul.u32 @!p0 $0xF7A, s2;
	p2 =	seq.s32 @!p0 s5, $0x0  }
0x1f: {  	s9 =	smul.u32 $0xF7A, s1;
	s8 =	simm.s32 @!p0 $0x1BF5;
	p2 =	por !p2, p0  }
0x20: {  	[sflag:s8] =	ssyncset.s32 @!p0 $0xFFFFF086;
	s6 =	sadd.s32 @!p0 s3, s7;
	s7 =	simm.s32 @!p0 $0x108  }
0x21: {  	s3 =	sadd.s32 s3, s9;
	s6 =	sadd.s32 @!p0 $0x88, s6;
	s7 =	simm.s32 @p2 $0x1082  }
0x22: {  	[simem:s7], [sflag:s8] =	dma.local @!p0 [hbm:s6], $0xF7A  }
0x23: {  	s9 =	sor.u32 $0xD0000000, s2;
	s6 =	simm.s32 $0x108;
	_ =	swait.ge @!p0 [sflag:s8], $0x0  }
0x24: {  	s3 =	sadd.s32 $0x88, s3;
	s6 =	simm.s32 @!p1 $0x1082;
	[sflag:s4] =	ssyncset.s32 $0xFFFFF086  }
0x25: {  	[simem:s6], [sflag:s4] =	dma.local [hbm:s3], $0xF7A  }
0x26: {  	[smem:$0x3F9A] =	sst s1;
	(tag) =	ssettag s2;
	_ =	strace s9  }
0x27: {  	s1 =	sld [smem:$0x3FAA]  }
0x28: {  	s2 =	sld [smem:$0x3FAB]  }
0x29: {  	s4 =	sld [smem:$0x3FAD]  }
0x2a: {  	p0 =	seq.s32 s5, $0x0;
	s5 =	sld [smem:$0x3FAE]  }
0x2b: {  	s6 =	sld [smem:$0x3FAF]  }
0x2c: {  	s7 =	sld [smem:$0x3FB0]  }
0x2d: {  	s3 =	simm.s32 $0x108;
	s8 =	sld [smem:$0x3FB1]  }
0x2e: {  	s3 =	simm.s32 @!p0 $0x1082;
	s9 =	sld [smem:$0x3FB2]  }
0x2f: {  	lr =	sadd.s32 s0, s3;
	s0 =	sld [smem:$0x3FA9]  }
0x30: {  	s3 =	sld [smem:$0x3FAC]  }
0x31: {  	[smem:$0x3FB5] =	sst s10  }
0x32: {  	s10 =	sld [smem:$0x3FB3];
	_ =	sdelay $0x3  }
0x33: {  	p0 =	seq.s32 s10, $0x1;
	s10 =	sld [smem:$0x3FB5];
	_ =	sdelay $0x3  }
0x34: {  	[smem:$0x3FB5] =	sst s10  }
0x35: {  	s10 =	sld [smem:$0x3FB4];
	_ =	sdelay $0x3  }
0x36: {  	p1 =	seq.s32 s10, $0x1;
	s10 =	sld [smem:$0x3FB5];
	_ =	sdelay $0x3  }
0x37: {  	[smem:$0x3FB5] =	sst s10  }
0x38: {  	s10 =	sld [smem:$0x3FB6]  }
0x39: {  	_ = 	snop;
	(pc) =	sbr.ind lr, $3  }
0x3a: {  	_ = 	snop  }
0x3b: {  	_ = 	snop  }
0x3c: {  	p2 =	seq.s32 s10, $0x1;
	s10 =	sld [smem:$0x3FB5]  }
0x3d: {  	_ =	shalt  }
0x3e: {  	_ =	shalt  }
0x3f: {  	_ =	shalt  }
0x40: {  	_ =	shalt  }
0x41: {  	_ =	shalt  }
0x42: {  	_ =	shalt  }
0x43: {  	_ =	shalt  }
0x44: {  	_ =	shalt  }
0x45: {  	_ =	shalt  }
0x46: {  	_ =	shalt  }
0x47: {  	_ =	shalt  }
0x48: {  	_ =	shalt  }
0x49: {  	_ =	shalt  }
0x4a: {  	_ =	shalt  }
0x4b: {  	_ =	shalt  }
0x4c: {  	_ =	shalt  }
0x4d: {  	_ =	shalt  }
0x4e: {  	_ =	shalt  }
0x4f: {  	_ =	shalt  }
0x50: {  	_ =	shalt  }
0x51: {  	_ =	shalt  }
0x52: {  	_ =	shalt  }
0x53: {  	_ =	shalt  }
0x54: {  	_ =	shalt  }
0x55: {  	_ =	shalt  }
0x56: {  	_ =	shalt  }
0x57: {  	_ =	shalt  }
0x58: {  	_ =	shalt  }
0x59: {  	_ =	shalt  }
0x5a: {  	_ =	shalt  }
0x5b: {  	_ =	shalt  }
0x5c: {  	_ =	shalt  }
0x5d: {  	_ =	shalt  }
0x5e: {  	_ =	shalt  }
0x5f: {  	_ =	shalt  }
0x60: {  	_ =	shalt  }
0x61: {  	_ =	shalt  }
0x62: {  	_ =	shalt  }
0x63: {  	_ =	shalt  }
0x64: {  	_ =	shalt  }
0x65: {  	_ =	shalt  }
0x66: {  	_ =	shalt  }
0x67: {  	_ =	shalt  }
0x68: {  	_ =	shalt  }
0x69: {  	_ =	shalt  }
0x6a: {  	_ =	shalt  }
0x6b: {  	_ =	shalt  }
0x6c: {  	_ =	shalt  }
0x6d: {  	_ =	shalt  }
0x6e: {  	_ =	shalt  }
0x6f: {  	_ =	shalt  }
0x70: {  	_ =	shalt  }
0x71: {  	_ =	shalt  }
0x72: {  	_ =	shalt  }
0x73: {  	_ =	shalt  }
0x74: {  	_ =	shalt  }
0x75: {  	_ =	shalt  }
0x76: {  	_ =	shalt  }
0x77: {  	_ =	shalt  }
0x78: {  	_ =	shalt  }
0x79: {  	_ =	shalt  }
0x7a: {  	_ =	shalt  }
0x7b: {  	_ =	shalt  }
0x7c: {  	_ =	shalt  }
0x7d: {  	_ =	shalt  }
0x7e: {  	_ =	shalt  }
0x7f: {  	_ =	shalt  }
0x80: {  	_ =	shalt  }
0x81: {  	_ =	shalt  }
0x82: {  	_ =	shalt  }
0x83: {  	_ =	shalt  }
0x84: {  	_ =	shalt  }
0x85: {  	_ =	shalt  }
0x86: {  	_ =	shalt  }
0x87: {  	_ =	shalt  }
.Lfunc_end0:
.L_simem_size_0:
called_computation.1_lowered:
.L_overlay_start_0:
0x88: {  	s2 =	sld [smem:$0x3FD9]  }
0x89: {  	s3 =	sld [smem:$0x3FFE];
	_ =	sdelay $0x1  }
0x8a: {  	s1 =	srdreg.scid  }
0x8b: {  	s0 =	sand.u32 $0x1, s1  }
0x8c: {  	s17 =	sshll.u32 s0, $0xA;
	s2 =	sadd.s32 s3, s2  }
0x8d: {  	s2 =	sadd.s32 s2, s17  }
0x8e: {  	[smem:$0x3FC1] =	sst s2  }
0x8f: {  	_ = 	snop  }
0x90: {  	s2 =	sld [smem:$0x3FD0];
	(tm) =	ssettm $0x1  }
0x91: {  	s18 =	sld [smem:$0x3FFB];
	_ =	sdelay $0x3  }
0x92: {  	_ =	strace s18  }
0x93: {  	s3 =	sld [smem:$0x3FFC];
	_ =	sdelay $0x3  }
0x94: {  	_ =	strace s3  }
0x95: {  	s3 =	sld [smem:$0x3FFD];
	_ =	sdelay $0x3  }
0x96: {  	_ =	strace s3  }
0x97: {  	_ =	strace $0x8FFFFFFF  }
0x98: {  	s19 =	sld [smem:$0x3FDB];
	_ =	sdelay $0x1  }
0x99: {  	s4 =	simm.s32 $_scs_section_size  }
0x9a: {  	s5 =	simm.s32 $_size__tile_overlayer_lowered;
	s6 =	simm.s32 $_tile_overlayer_lowered  }
0x9b: {  	s22 =	simm.s32 $0x1BFF;
	s21 =	sshll.u32 s6, $0x1;
	s3 =	sadd.s32 s4, s19  }
0x9c: {  	s7 =	simm.s32 $0x0;
	s20 =	sshll.u32 s5, $0x1;
	s5 =	sadd.s32 s21, s3  }
0x9d: {  	[timem:s7], [sflag:s22] =	dma.local [hbm:s5], s20  }
0x9e: {  	_ =	swait.ge [sflag:s22], s20  }
0x9f: {  	s4 =	ssub.s32 $0x0, s20;
	[sflag:s22] =	ssyncset.done $0x0  }
0xa0: {  	[sflag:s22] =	ssyncadd.s32 s4;
	_ =	sdelay $0x1  }
0xa1: {  	s23 =	simm.s32 $0x1B8B  }
0xa2: {  	_ =	swait.ge [sflag:s23], $0x1  }
0xa3: {  	[sflag:s23] =	ssyncset.done $0x0  }
0xa4: {  	s25 =	simm.s32 $0x1B8E;
	s24 =	sld [smem:$0x3FFE];
	[sflag:s23] =	ssyncadd.s32 $0xFFFFFFFF  }
0xa5: {  	s26 =	simm.s32 $execute0_lowered;
	[smem:$0x3FD2] =	sst s25  }
0xa6: {  	s5 =	sshll.u32 s26, $0x1;
	_ =	strace $0x80000049;
	[dreg:$0x1] =	wrdreg $0xFFFFFFFF  }
0xa7: {  	s28 =	simm.s32 $_size_execute0_lowered;
	s3 =	sadd.s32 s3, s5;
	[dreg:$0x0] =	wrdreg $0x0  }
0xa8: {  	s5 =	sshll.u32 s28, $0x1;
	[dreg:$0x2] =	wrdreg s3  }
0xa9: {  	[dreg:$0x3] =	wrdreg s5  }
0xaa: {  	[dreg:$0x4] =	wrdreg $0xC0  }
0xab: {  	_ =	task [dreg:s7], $0x5FFFF  }
0xac: {  	[dreg:$0x1] =	wrdreg $0xFFFFFFFF  }
0xad: {  	[dreg:$0x0] =	wrdreg $0x60  }
0xae: {  	[dreg:$0x2] =	wrdreg s24  }
0xaf: {  	[dreg:$0x3] =	wrdreg s2  }
0xb0: {  	[dreg:$0x4] =	wrdreg $0x9  }
0xb1: {  	_ =	task.clear_ibuf [dreg:s7], $0x5FFFF;
	_ =	strace $0x90000049  }
0xb2: {  	s29 =	simm.s32 $0x9;
	_ =	strace $0x8000004B  }
0xb3: {  	_ =	swait.ge [sflag:s29], $0x1  }
0xb4: {  	[sflag:s29] =	ssyncadd.s32 $0xFFFFFFFF  }
0xb5: {  	_ =	strace $0x9000004B  }
0xb6: {  	_ =	sfence  }
0xb7: {  	s30 =	sld [smem:$0x0];
	_ =	sdelay $0x2  }
0xb8: {  	s31 =	sshll.u32 s1, $0xD;
	s1 =	sshrl.u32 s1, $0x2  }
0xb9: {  	s3 =	sand.u32 $0x4000, s31;
	s1 =	sadd.s32 s1, s30  }
0xba: {  	s0 =	sor.u32 s3, s0;
	s1 =	sshll.u32 s1, $0x11  }
0xbb: {  	s0 =	sor.u32 s1, s0  }
0xbc: {  	s0 =	sadd.s32 $0x8F2B, s0  }
0xbd: {  	[sflag:s0] =	ssyncadd.remote.s32 $0x1  }
0xbe: {  	_ =	sfence.sel $0xFFFF  }
0xbf: {  	[dreg:$0x0] =	wrdreg $0xFFFFFFFF;
	(pc) =	sbr.abs _section_cstart, $3  }
0xc0: {  	[dreg:$0x1] =	wrdreg $0xFFFFFFFF  }
0xc1: {  	_ =	task.clear_ibuf [dreg:s7], $0x2FFFF;
	_ =	strace $0x9FFFFFFF  }
0xc2: {  	(tm) =	ssettm $0x7FFFFFFF  }
0xc3: {  	_ =	shalt  }
tec
execute0_lowered:
.L_overlay_start_1:
0x0: {  	(tag) =	ssettag $0x1  }
0x1: {  	s1 =	srdreg.scid;
	s5 =	rddreg [dreg:$0x0]  }
0x2: {  	s0 =	stileid.u32;
	s4 =	rddreg [dreg:$0x1]  }
0x3: {  	s15 =	simm.s32 $0x10000;
	s16 =	simm.s32 $0x10080;
	s17 =	simm.s32 $0x800  }
0x4: {  	s18 =	simm.s32 $0x1000;
	s19 =	simm.s32 $0x1800;
	s1 =	sand.u32 $0x1, s1  }
0x5: {  	s20 =	simm.s32 $0x2000;
	s2 =	sshll.u32 s0, $0x7;
	s3 =	sshll.u32 s1, $0x6  }
0x6: {  	s21 =	simm.s32 $0x2800;
	s6 =	sor.u32 s3, s2;
	s2 =	simm.s32 $0x0  }
0x7: {  	s22 =	simm.s32 $0x3000;
	s24 =	simm.s32 $0x3800;
	[smem:$0x7FF] =	sst s2  }
0x8: {  	s25 =	simm.s32 $0x4000;
	_ =	strace $0x8000004A;
	[dreg:$0x6] =	wrdreg s15  }
0x9: {  	s26 =	simm.s32 $0x4800;
	s9 =	simm.s32 $0x5800;
	[dreg:$0x7] =	wrdreg s16  }
0xa: {  	s10 =	simm.s32 $0x6000;
	s11 =	simm.s32 $0x6800;
	[dreg:$0x8] =	wrdreg s17  }
0xb: {  	s12 =	simm.s32 $0x7000;
	s13 =	simm.s32 $0x7800;
	[dreg:$0x9] =	wrdreg s18  }
0xc: {  	s28 =	simm.s32 $0xE800;
	s29 =	simm.s32 $0xF000;
	[dreg:$0xa] =	wrdreg s19  }
0xd: {  	s30 =	simm.s32 $0xF800;
	s31 =	simm.s32 $0x1;
	[dreg:$0xb] =	wrdreg s20  }
0xe: {  	s14 =	sadd.s32 $0x22000, s5;
	s1 =	ssub.s32 $0x2, s1;
	[dreg:$0xc] =	wrdreg s21  }
0xf: {  	s23 =	sshrl.u32 s1, $0x1;
	s7 =	sshll.u32 s6, $0x1;
	[dreg:$0xd] =	wrdreg s22  }
0x10: {  	s6 =	sshll.u32 s6, $0x6;
	s1 =	ssub.s32 s1, s23;
	[dreg:$0xe] =	wrdreg s24  }
0x11: {  	s23 =	simm.s32 $0xC800;
	s8 =	sand.u32 $0xF00, s7;
	[dreg:$0xf] =	wrdreg s25  }
0x12: {  	[dreg:$0x10] =	wrdreg s26;
	s15 =	simm.s32 $0x8800;
	s16 =	simm.s32 $0x9000  }
0x13: {  	s17 =	simm.s32 $0x9800;
	s18 =	simm.s32 $0xA000;
	s19 =	simm.s32 $0xA800  }
0x14: {  	s20 =	simm.s32 $0xB000;
	s21 =	simm.s32 $0xB800;
	s22 =	simm.s32 $0xC000  }
0x15: {  	s24 =	simm.s32 $0xD000;
	s8 =	sor.u32 s3, s8;
	s3 =	sor.u32 s3, s7  }
0x16: {  	s25 =	simm.s32 $0xD800;
	s8 =	sshrl.u32 s8, $0x3;
	s3 =	sshrl.u32 s3, $0x3  }
0x17: {  	s26 =	simm.s32 $0xE000;
	s8 =	sadd.s32 s14, s8;
	s3 =	sor.u32 $0x10, s3  }
0x18: {  	[dreg:$0x3] =	wrdreg s8;
	s7 =	sadd.s32 s14, s3;
	s3 =	sadd.s32 s4, s6  }
0x19: {  	v2 =	vlaneseq.u32;
	s6 =	smax.u32 s1, $0x1;
	s14 =	simm.s32 $0x8000;
	s1 =	simm.s32 $0x2  }
0x1a: {  	vm0 =	vmmov $0xffff;
	v1 =	vshrl.u32 v2, $0x3;
	[dreg:$0x4] =	wrdreg s7;
	s4 =	sadd.s32 $0x20000, s3;
	s7 =	simm.s32 $0x3  }
0x1b: {  	v0 =	vand.u32 $0x7, v2;
	v2 =	vor.u32 $0x8, v2;
	v1 =	vmul.u32 $0x8, v1;
	[dreg:$0x5] =	wrdreg s4;
	s4 =	sadd.s32 $0xF5200, s5;
	s5 =	sadd.s32 $0xF5300, s5  }
.LBB2_1:
0x1c: {  	s0 =	rddreg [dreg:$0x3]  }
0x1d: {  	s8 =	rddreg [dreg:$0x6]  }
0x1e: {  	[tilespmem:s8], [sflag:$0x3] =	stream.linear.gather [hbm4b:s0+s2], $0x40, $0x38;
	[tilespmem:$0x10100] =	vst v63  }
0x1f: {  	_ =	swait.ge [sflag:s7], $0x40  }
0x20: {  	s0 =	rddreg [dreg:$0x4];
	[sflag:s7] =	ssyncset.done $0x0  }
0x21: {  	s8 =	rddreg [dreg:$0x7];
	[sflag:s7] =	ssyncadd.s32 $0xFFFFFFC0  }
0x22: {  	[tilespmem:s8], [sflag:$0x3] =	stream.linear.gather [hbm4b:s0+s2], $0x40, $0x38;
	[tilespmem:$0x10100] =	vst v63  }
0x23: {  	_ =	swait.ge [sflag:s7], $0x40  }
0x24: {  	[sflag:s7] =	ssyncset.done $0x0  }
0x25: {  	[sflag:s7] =	ssyncadd.s32 $0xFFFFFFC0  }
0x26: {  	v3 =	vld [tilespmem:$0x10000];
	_ =	sdelay $0x4  }
0x27: {  	v4 =	vshll.u32 v3, $0x2  }
0x28: {  	v3 =	vand.u32 $0x7, v3;
	v4 =	vand.u32 $0xFFFFFFE0, v4  }
0x29: {  	v3 =	vor.u32 v3, v4  }
0x2a: {  	v4 =	vperm.xlane v3, v0;
	_ =	sdelay $0x1  }
0x2b: {  	v4 =	vadd.s32 v1, v4;
	_ =	sdelay $0x1  }
0x2c: {  	v3 =	vperm.xlane v3, v2;
	_ =	sdelay $0x1  }
0x2d: {  	v3 =	vadd.s32 v1, v3  }
0x2e: {  	[tilespmem:s2], [sflag:$0x1] =	stream.indirect_vreg.gather [hbm4b:s4+s2], $0x80, v4, vm0, $0xb8;
	[tilespmem:$0x10100] =	vst v63  }
0x2f: {  	s0 =	rddreg [dreg:$0x8]  }
0x30: {  	[tilespmem:s0], [sflag:$0x1] =	stream.indirect_vreg.gather [hbm4b:s5+s2], $0x80, v4, vm0, $0xb8;
	[tilespmem:$0x10100] =	vst v63  }
0x31: {  	s8 =	rddreg [dreg:$0x9]  }
0x32: {  	[tilespmem:s8], [sflag:$0x1] =	stream.indirect_vreg.gather [hbm4b:s4+s2], $0x80, v3, vm0, $0xb8;
	[tilespmem:$0x10100] =	vst v63  }
0x33: {  	s0 =	rddreg [dreg:$0xa]  }
0x34: {  	[tilespmem:s0], [sflag:$0x1] =	stream.indirect_vreg.gather [hbm4b:s5+s2], $0x80, v3, vm0, $0xb8;
	[tilespmem:$0x10100] =	vst v63  }
0x35: {  	v3 =	vld [tilespmem:$0x10010];
	_ =	sdelay $0x4  }
0x36: {  	v57 =	vshll.u32 v3, $0x2  }
0x37: {  	v3 =	vand.u32 $0x7, v3;
	v4 =	vand.u32 $0xFFFFFFE0, v57  }
0x38: {  	v3 =	vor.u32 v3, v4  }
0x39: {  	v4 =	vperm.xlane v3, v0;
	_ =	sdelay $0x1  }
0x3a: {  	v4 =	vadd.s32 v1, v4;
	_ =	sdelay $0x1  }
0x3b: {  	v3 =	vperm.xlane v3, v2;
	_ =	sdelay $0x1  }
0x3c: {  	s0 =	rddreg [dreg:$0xb];
	v3 =	vadd.s32 v1, v3  }
0x3d: {  	[tilespmem:s0], [sflag:$0x1] =	stream.indirect_vreg.gather [hbm4b:s4+s2], $0x80, v4, vm0, $0xb8;
	[tilespmem:$0x10100] =	vst v63  }
0x3e: {  	s8 =	rddreg [dreg:$0xc]  }
0x3f: {  	[tilespmem:s8], [sflag:$0x1] =	stream.indirect_vreg.gather [hbm4b:s5+s2], $0x80, v4, vm0, $0xb8;
	[tilespmem:$0x10100] =	vst v63  }
0x40: {  	s0 =	rddreg [dreg:$0xd]  }
0x41: {  	[tilespmem:s0], [sflag:$0x1] =	stream.indirect_vreg.gather [hbm4b:s4+s2], $0x80, v3, vm0, $0xb8;
	[tilespmem:$0x10100] =	vst v63  }
0x42: {  	s8 =	rddreg [dreg:$0xe]  }
0x43: {  	[tilespmem:s8], [sflag:$0x1] =	stream.indirect_vreg.gather [hbm4b:s5+s2], $0x80, v3, vm0, $0xb8;
	[tilespmem:$0x10100] =	vst v63  }
0x44: {  	v3 =	vld [tilespmem:$0x10020];
	_ =	sdelay $0x4  }
0x45: {  	v58 =	vshll.u32 v3, $0x2  }
0x46: {  	v3 =	vand.u32 $0x7, v3;
	v4 =	vand.u32 $0xFFFFFFE0, v58  }
0x47: {  	v3 =	vor.u32 v3, v4  }
0x48: {  	v4 =	vperm.xlane v3, v0;
	_ =	sdelay $0x1  }
0x49: {  	v4 =	vadd.s32 v1, v4;
	_ =	sdelay $0x1  }
0x4a: {  	v3 =	vperm.xlane v3, v2;
	_ =	sdelay $0x1  }
0x4b: {  	s0 =	rddreg [dreg:$0xf];
	v3 =	vadd.s32 v1, v3  }
0x4c: {  	[tilespmem:s0], [sflag:$0x1] =	stream.indirect_vreg.gather [hbm4b:s4+s2], $0x80, v4, vm0, $0xb8;
	[tilespmem:$0x10100] =	vst v63  }
0x4d: {  	s8 =	rddreg [dreg:$0x10]  }
0x4e: {  	[tilespmem:s8], [sflag:$0x1] =	stream.indirect_vreg.gather [hbm4b:s5+s2], $0x80, v4, vm0, $0xb8;
	[tilespmem:$0x10100] =	vst v63  }
0x4f: {  	s8 =	simm.s32 $0x5000  }
0x50: {  	[tilespmem:s8], [sflag:$0x1] =	stream.indirect_vreg.gather [hbm4b:s4+s2], $0x80, v3, vm0, $0xb8;
	[tilespmem:$0x10100] =	vst v63  }
0x51: {  	_ = 	snop  }
0x52: {  	[tilespmem:s9], [sflag:$0x1] =	stream.indirect_vreg.gather [hbm4b:s5+s2], $0x80, v3, vm0, $0xb8;
	[tilespmem:$0x10100] =	vst v63  }
0x53: {  	v3 =	vld [tilespmem:$0x10030];
	_ =	sdelay $0x4  }
0x54: {  	v59 =	vshll.u32 v3, $0x2  }
0x55: {  	v3 =	vand.u32 $0x7, v3;
	v4 =	vand.u32 $0xFFFFFFE0, v59  }
0x56: {  	v3 =	vor.u32 v3, v4  }
0x57: {  	v4 =	vperm.xlane v3, v0;
	_ =	sdelay $0x1  }
0x58: {  	v4 =	vadd.s32 v1, v4;
	_ =	sdelay $0x1  }
0x59: {  	v3 =	vperm.xlane v3, v2;
	_ =	sdelay $0x1  }
0x5a: {  	v3 =	vadd.s32 v1, v3  }
0x5b: {  	[tilespmem:s10], [sflag:$0x1] =	stream.indirect_vreg.gather [hbm4b:s4+s2], $0x80, v4, vm0, $0xb8;
	[tilespmem:$0x10100] =	vst v63  }
0x5c: {  	_ = 	snop  }
0x5d: {  	[tilespmem:s11], [sflag:$0x1] =	stream.indirect_vreg.gather [hbm4b:s5+s2], $0x80, v4, vm0, $0xb8;
	[tilespmem:$0x10100] =	vst v63  }
0x5e: {  	_ = 	snop  }
0x5f: {  	[tilespmem:s12], [sflag:$0x1] =	stream.indirect_vreg.gather [hbm4b:s4+s2], $0x80, v3, vm0, $0xb8;
	[tilespmem:$0x10100] =	vst v63  }
0x60: {  	_ = 	snop  }
0x61: {  	[tilespmem:s13], [sflag:$0x1] =	stream.indirect_vreg.gather [hbm4b:s5+s2], $0x80, v3, vm0, $0xb8;
	[tilespmem:$0x10100] =	vst v63  }
0x62: {  	v3 =	vld [tilespmem:$0x10080];
	_ =	sdelay $0x4  }
0x63: {  	v60 =	vshll.u32 v3, $0x2  }
0x64: {  	v3 =	vand.u32 $0x7, v3;
	v4 =	vand.u32 $0xFFFFFFE0, v60  }
0x65: {  	v3 =	vor.u32 v3, v4  }
0x66: {  	v4 =	vperm.xlane v3, v0;
	_ =	sdelay $0x1  }
0x67: {  	v4 =	vadd.s32 v1, v4;
	_ =	sdelay $0x1  }
0x68: {  	v3 =	vperm.xlane v3, v2;
	_ =	sdelay $0x1  }
0x69: {  	v3 =	vadd.s32 v1, v3  }
0x6a: {  	[tilespmem:s14], [sflag:$0x2] =	stream.indirect_vreg.gather [hbm4b:s4+s2], $0x80, v4, vm0, $0xb8;
	[tilespmem:$0x10100] =	vst v63  }
0x6b: {  	_ = 	snop  }
0x6c: {  	[tilespmem:s15], [sflag:$0x2] =	stream.indirect_vreg.gather [hbm4b:s5+s2], $0x80, v4, vm0, $0xb8;
	[tilespmem:$0x10100] =	vst v63  }
0x6d: {  	_ = 	snop  }
0x6e: {  	[tilespmem:s16], [sflag:$0x2] =	stream.indirect_vreg.gather [hbm4b:s4+s2], $0x80, v3, vm0, $0xb8;
	[tilespmem:$0x10100] =	vst v63  }
0x6f: {  	_ = 	snop  }
0x70: {  	[tilespmem:s17], [sflag:$0x2] =	stream.indirect_vreg.gather [hbm4b:s5+s2], $0x80, v3, vm0, $0xb8;
	[tilespmem:$0x10100] =	vst v63  }
0x71: {  	v3 =	vld [tilespmem:$0x10090];
	_ =	sdelay $0x4  }
0x72: {  	v61 =	vshll.u32 v3, $0x2  }
0x73: {  	v3 =	vand.u32 $0x7, v3;
	v4 =	vand.u32 $0xFFFFFFE0, v61  }
0x74: {  	v3 =	vor.u32 v3, v4  }
0x75: {  	v4 =	vperm.xlane v3, v0;
	_ =	sdelay $0x1  }
0x76: {  	v4 =	vadd.s32 v1, v4;
	_ =	sdelay $0x1  }
0x77: {  	v3 =	vperm.xlane v3, v2;
	_ =	sdelay $0x1  }
0x78: {  	v3 =	vadd.s32 v1, v3  }
0x79: {  	[tilespmem:s18], [sflag:$0x2] =	stream.indirect_vreg.gather [hbm4b:s4+s2], $0x80, v4, vm0, $0xb8;
	[tilespmem:$0x10100] =	vst v63  }
0x7a: {  	_ = 	snop  }
0x7b: {  	[tilespmem:s19], [sflag:$0x2] =	stream.indirect_vreg.gather [hbm4b:s5+s2], $0x80, v4, vm0, $0xb8;
	[tilespmem:$0x10100] =	vst v63  }
0x7c: {  	_ = 	snop  }
0x7d: {  	[tilespmem:s20], [sflag:$0x2] =	stream.indirect_vreg.gather [hbm4b:s4+s2], $0x80, v3, vm0, $0xb8;
	[tilespmem:$0x10100] =	vst v63  }
0x7e: {  	_ = 	snop  }
0x7f: {  	[tilespmem:s21], [sflag:$0x2] =	stream.indirect_vreg.gather [hbm4b:s5+s2], $0x80, v3, vm0, $0xb8;
	[tilespmem:$0x10100] =	vst v63  }
0x80: {  	v3 =	vld [tilespmem:$0x100A0];
	_ =	sdelay $0x4  }
0x81: {  	v62 =	vshll.u32 v3, $0x2  }
0x82: {  	v3 =	vand.u32 $0x7, v3;
	v4 =	vand.u32 $0xFFFFFFE0, v62  }
0x83: {  	v3 =	vor.u32 v3, v4  }
0x84: {  	v4 =	vperm.xlane v3, v0;
	_ =	sdelay $0x1  }
0x85: {  	v4 =	vadd.s32 v1, v4;
	_ =	sdelay $0x1  }
0x86: {  	v3 =	vperm.xlane v3, v2;
	_ =	sdelay $0x1  }
0x87: {  	v3 =	vadd.s32 v1, v3  }
0x88: {  	[tilespmem:s22], [sflag:$0x2] =	stream.indirect_vreg.gather [hbm4b:s4+s2], $0x80, v4, vm0, $0xb8;
	[tilespmem:$0x10100] =	vst v63  }
0x89: {  	_ = 	snop  }
0x8a: {  	[tilespmem:s23], [sflag:$0x2] =	stream.indirect_vreg.gather [hbm4b:s5+s2], $0x80, v4, vm0, $0xb8;
	[tilespmem:$0x10100] =	vst v63  }
0x8b: {  	_ = 	snop  }
0x8c: {  	[tilespmem:s24], [sflag:$0x2] =	stream.indirect_vreg.gather [hbm4b:s4+s2], $0x80, v3, vm0, $0xb8;
	[tilespmem:$0x10100] =	vst v63  }
0x8d: {  	_ = 	snop  }
0x8e: {  	[tilespmem:s25], [sflag:$0x2] =	stream.indirect_vreg.gather [hbm4b:s5+s2], $0x80, v3, vm0, $0xb8;
	[tilespmem:$0x10100] =	vst v63  }
0x8f: {  	v3 =	vld [tilespmem:$0x100B0];
	_ =	sdelay $0x4  }
0x90: {  	v63 =	vshll.u32 v3, $0x2  }
0x91: {  	v3 =	vand.u32 $0x7, v3;
	v4 =	vand.u32 $0xFFFFFFE0, v63  }
0x92: {  	v3 =	vor.u32 v3, v4  }
0x93: {  	v4 =	vperm.xlane v3, v0;
	_ =	sdelay $0x1  }
0x94: {  	v4 =	vadd.s32 v1, v4;
	_ =	sdelay $0x1  }
0x95: {  	v3 =	vperm.xlane v3, v2;
	_ =	sdelay $0x1  }
0x96: {  	v3 =	vadd.s32 v1, v3  }
0x97: {  	[tilespmem:s26], [sflag:$0x2] =	stream.indirect_vreg.gather [hbm4b:s4+s2], $0x80, v4, vm0, $0xb8;
	[tilespmem:$0x10100] =	vst v63  }
0x98: {  	_ = 	snop  }
0x99: {  	[tilespmem:s28], [sflag:$0x2] =	stream.indirect_vreg.gather [hbm4b:s5+s2], $0x80, v4, vm0, $0xb8;
	[tilespmem:$0x10100] =	vst v63  }
0x9a: {  	_ = 	snop  }
0x9b: {  	[tilespmem:s29], [sflag:$0x2] =	stream.indirect_vreg.gather [hbm4b:s4+s2], $0x80, v3, vm0, $0xb8;
	[tilespmem:$0x10100] =	vst v63  }
0x9c: {  	_ = 	snop  }
0x9d: {  	[tilespmem:s30], [sflag:$0x2] =	stream.indirect_vreg.gather [hbm4b:s5+s2], $0x80, v3, vm0, $0xb8;
	[tilespmem:$0x10100] =	vst v63  }
0x9e: {  	_ =	swait.ge [sflag:s31], $0x8000  }
0x9f: {  	[sflag:s31] =	ssyncset.done $0x0  }
0xa0: {  	[sflag:s31] =	ssyncadd.s32 $0xFFFF8000  }
0xa1: {  	_ =	swait.ge [sflag:s1], $0x8000  }
0xa2: {  	[sflag:s1] =	ssyncset.done $0x0  }
0xa3: {  	[sflag:s1] =	ssyncadd.s32 $0xFFFF8000  }
0xa4: {  	[hbm4b:s3+s2] =	stream.linear.scatter [tilespmem:s2], [sflag:$0x1], $0x8000, $0x38;
	[tilespmem:$0x10100] =	vst v63  }
0xa5: {  	s8 =	rddreg [dreg:$0x5]  }
0xa6: {  	[hbm4b:s8+s2] =	stream.linear.scatter [tilespmem:s14], [sflag:$0x2], $0x8000, $0x38;
	[tilespmem:$0x10100] =	vst v63  }
0xa7: {  	p0 =	sne.s32 s6, $0x1;
	_ =	swait.ge [sflag:s31], $0x8000  }
.Ltmp0:
0xa8: {  	[sflag:s31] =	ssyncset.done $0x0;
	(pc) =	sbr.rel @p0 .LBB2_1-.Ltmp0, $4  }
0xa9: {  	[sflag:s31] =	ssyncadd.s32 $0xFFFF8000  }
0xaa: {  	_ =	swait.ge [sflag:s1], $0x8000  }
0xab: {  	[sflag:s1] =	ssyncset.done $0x0  }
0xac: {  	s6 =	sadd.s32 $0xFFFFFFFF, s6;
	[sflag:s1] =	ssyncadd.s32 $0xFFFF8000  }
0xad: {  	_ =	sfence.sel $0x180000  }
0xae: {  	[bflag:$0x0] =	sbarrier.arrive $0xFFFF  }
0xaf: {  	_ =	strace $0x9000004A  }
0xb0: {  	s0 =	stileid.u32;
	[bflag:$0x2] =	sbarrier.arrive $0xFFFF  }
0xb1: {  	p0 =	sne.s32 s0, $0x0;
	s0 =	rddreg [dreg:$0x2]  }
0xb2: {  	s0 =	sadd.s32 @!p0 $0x100000, s0  }
0xb3: {  	[sflag:s0] =	ssyncadd.tile.s32 @!p0 $0x1;
	_ =	shalt  }
.Lfunc_end2:
_tile_overlayer_lowered:
.L_overlay_start_2:
0xb4: {  	(tag) =	ssettag $0x2  }
0xb5: {  	s0 =	rddreg [dreg:$0x0];
	s2 =	stileid.u32  }
0xb6: {  	s1 =	rddreg [dreg:$0x1];
	p0 =	sne.s32 s2, $0x0  }
0xb7: {  	s3 =	rddreg [dreg:$0x2];
	[bflag:$0x3] =	sbarrier.arrive $0xFFFF;
	s2 =	simm.s32 @!p0 $0x1C03  }
0xb8: {  	[timem:s3], [sflag:s2] =	dma.local @!p0 [hbm:s0], s1  }
0xb9: {  	s0 =	simm.s32 @!p0 $0x3  }
0xba: {  	_ =	swait.ge @!p0 [sflag:s0], s1  }
0xbb: {  	s1 =	ssub.s32 @!p0 $0x0, s1;
	[sflag:s0] =	ssyncset.done @!p0 $0x0  }
0xbc: {  	[sflag:s0] =	ssyncadd.s32 @!p0 s1  }
0xbd: {  	[bflag:$0x3] =	sbarrier.arrive $0xFFFF  }
0xbe: {  	_ =	shalt  }

// kernel: kernel.7.cloned.1.call-start
scs
__scs_entry_jumppad:
0x0: {  	(pc) =	sbr.rel $0x88, $3  }
0x1: {  	(tag) =	ssettag $0x0;
	lr =	simm.s32 $0x1  }
0x2: {  	[smem:$0x3F9A] =	sst lr;
	_ =	strace $0xD0000000  }
0x3: {  	_ = 	snop  }
0x4: {  	_ = 	snop  }
0x5: {  	_ = 	snop  }
0x6: {  	_ = 	snop  }
0x7: {  	_ = 	snop  }
__scs_overlays_trampoline_lowered:
0x8: {  	[smem:$0x3FA9] =	sst s0  }
0x9: {  	[smem:$0x3FAA] =	sst s1  }
0xa: {  	[smem:$0x3FAB] =	sst s2  }
0xb: {  	[smem:$0x3FAC] =	sst s3  }
0xc: {  	[smem:$0x3FAD] =	sst s4  }
0xd: {  	[smem:$0x3FAE] =	sst s5  }
0xe: {  	[smem:$0x3FAF] =	sst s6  }
0xf: {  	[smem:$0x3FB0] =	sst s7  }
0x10: {  	[smem:$0x3FB1] =	sst s8  }
0x11: {  	[smem:$0x3FB2] =	sst s9;
	s0 =	simm.s32 @!p0 $0x0  }
0x12: {  	s1 =	sld [smem:$0x3F98];
	s0 =	simm.s32 @p0 $0x1  }
0x13: {  	[smem:$0x3FB3] =	sst s0;
	s0 =	simm.s32 @!p1 $0x0  }
0x14: {  	s2 =	sld [smem:$0x3F97];
	s0 =	simm.s32 @p1 $0x1  }
0x15: {  	[smem:$0x3FB4] =	sst s0;
	s0 =	simm.s32 @!p2 $0x0  }
0x16: {  	s3 =	sld [smem:$0x3FDB];
	s0 =	simm.s32 @p2 $0x1  }
0x17: {  	s4 =	simm.s32 $0x1BF5;
	[smem:$0x3FB6] =	sst s0  }
0x18: {  	s0 =	sld [smem:$0x3F99];
	_ =	swait.ge [sflag:s4], $0x0  }
0x19: {  	s7 =	sld [smem:$0x3F9A]  }
0x1a: {  	s8 =	sadd.s32 $0xFFFFE003, lr  }
0x1b: {  	s9 =	sadd.s32 $0xFFFFFEF7, lr;
	s5 =	simm.s32 $0xFFFFFFFF;
	p2 =	slt.u32 s8, $0xFFFFF086  }
0x1c: {  	p1 =	slt.u32 s9, $0xF7A;
	s5 =	simm.s32 @!p2 $0x0  }
0x1d: {  	s5 =	simm.s32 @p1 $0x1;
	p0 =	seq.s32 s7, s2  }
0x1e: {  	s7 =	smul.u32 @!p0 $0xF7A, s2;
	p2 =	seq.s32 @!p0 s5, $0x0  }
0x1f: {  	s9 =	smul.u32 $0xF7A, s1;
	s8 =	simm.s32 @!p0 $0x1BF5;
	p2 =	por !p2, p0  }
0x20: {  	[sflag:s8] =	ssyncset.s32 @!p0 $0xFFFFF086;
	s6 =	sadd.s32 @!p0 s3, s7;
	s7 =	simm.s32 @!p0 $0x108  }
0x21: {  	s3 =	sadd.s32 s3, s9;
	s6 =	sadd.s32 @!p0 $0x88, s6;
	s7 =	simm.s32 @p2 $0x1082  }
0x22: {  	[simem:s7], [sflag:s8] =	dma.local @!p0 [hbm:s6], $0xF7A  }
0x23: {  	s9 =	sor.u32 $0xD0000000, s2;
	s6 =	simm.s32 $0x108;
	_ =	swait.ge @!p0 [sflag:s8], $0x0  }
0x24: {  	s3 =	sadd.s32 $0x88, s3;
	s6 =	simm.s32 @!p1 $0x1082;
	[sflag:s4] =	ssyncset.s32 $0xFFFFF086  }
0x25: {  	[simem:s6], [sflag:s4] =	dma.local [hbm:s3], $0xF7A  }
0x26: {  	[smem:$0x3F9A] =	sst s1;
	(tag) =	ssettag s2;
	_ =	strace s9  }
0x27: {  	s1 =	sld [smem:$0x3FAA]  }
0x28: {  	s2 =	sld [smem:$0x3FAB]  }
0x29: {  	s4 =	sld [smem:$0x3FAD]  }
0x2a: {  	p0 =	seq.s32 s5, $0x0;
	s5 =	sld [smem:$0x3FAE]  }
0x2b: {  	s6 =	sld [smem:$0x3FAF]  }
0x2c: {  	s7 =	sld [smem:$0x3FB0]  }
0x2d: {  	s3 =	simm.s32 $0x108;
	s8 =	sld [smem:$0x3FB1]  }
0x2e: {  	s3 =	simm.s32 @!p0 $0x1082;
	s9 =	sld [smem:$0x3FB2]  }
0x2f: {  	lr =	sadd.s32 s0, s3;
	s0 =	sld [smem:$0x3FA9]  }
0x30: {  	s3 =	sld [smem:$0x3FAC]  }
0x31: {  	[smem:$0x3FB5] =	sst s10  }
0x32: {  	s10 =	sld [smem:$0x3FB3];
	_ =	sdelay $0x3  }
0x33: {  	p0 =	seq.s32 s10, $0x1;
	s10 =	sld [smem:$0x3FB5];
	_ =	sdelay $0x3  }
0x34: {  	[smem:$0x3FB5] =	sst s10  }
0x35: {  	s10 =	sld [smem:$0x3FB4];
	_ =	sdelay $0x3  }
0x36: {  	p1 =	seq.s32 s10, $0x1;
	s10 =	sld [smem:$0x3FB5];
	_ =	sdelay $0x3  }
0x37: {  	[smem:$0x3FB5] =	sst s10  }
0x38: {  	s10 =	sld [smem:$0x3FB6]  }
0x39: {  	_ = 	snop;
	(pc) =	sbr.ind lr, $3  }
0x3a: {  	_ = 	snop  }
0x3b: {  	_ = 	snop  }
0x3c: {  	p2 =	seq.s32 s10, $0x1;
	s10 =	sld [smem:$0x3FB5]  }
0x3d: {  	_ =	shalt  }
0x3e: {  	_ =	shalt  }
0x3f: {  	_ =	shalt  }
0x40: {  	_ =	shalt  }
0x41: {  	_ =	shalt  }
0x42: {  	_ =	shalt  }
0x43: {  	_ =	shalt  }
0x44: {  	_ =	shalt  }
0x45: {  	_ =	shalt  }
0x46: {  	_ =	shalt  }
0x47: {  	_ =	shalt  }
0x48: {  	_ =	shalt  }
0x49: {  	_ =	shalt  }
0x4a: {  	_ =	shalt  }
0x4b: {  	_ =	shalt  }
0x4c: {  	_ =	shalt  }
0x4d: {  	_ =	shalt  }
0x4e: {  	_ =	shalt  }
0x4f: {  	_ =	shalt  }
0x50: {  	_ =	shalt  }
0x51: {  	_ =	shalt  }
0x52: {  	_ =	shalt  }
0x53: {  	_ =	shalt  }
0x54: {  	_ =	shalt  }
0x55: {  	_ =	shalt  }
0x56: {  	_ =	shalt  }
0x57: {  	_ =	shalt  }
0x58: {  	_ =	shalt  }
0x59: {  	_ =	shalt  }
0x5a: {  	_ =	shalt  }
0x5b: {  	_ =	shalt  }
0x5c: {  	_ =	shalt  }
0x5d: {  	_ =	shalt  }
0x5e: {  	_ =	shalt  }
0x5f: {  	_ =	shalt  }
0x60: {  	_ =	shalt  }
0x61: {  	_ =	shalt  }
0x62: {  	_ =	shalt  }
0x63: {  	_ =	shalt  }
0x64: {  	_ =	shalt  }
0x65: {  	_ =	shalt  }
0x66: {  	_ =	shalt  }
0x67: {  	_ =	shalt  }
0x68: {  	_ =	shalt  }
0x69: {  	_ =	shalt  }
0x6a: {  	_ =	shalt  }
0x6b: {  	_ =	shalt  }
0x6c: {  	_ =	shalt  }
0x6d: {  	_ =	shalt  }
0x6e: {  	_ =	shalt  }
0x6f: {  	_ =	shalt  }
0x70: {  	_ =	shalt  }
0x71: {  	_ =	shalt  }
0x72: {  	_ =	shalt  }
0x73: {  	_ =	shalt  }
0x74: {  	_ =	shalt  }
0x75: {  	_ =	shalt  }
0x76: {  	_ =	shalt  }
0x77: {  	_ =	shalt  }
0x78: {  	_ =	shalt  }
0x79: {  	_ =	shalt  }
0x7a: {  	_ =	shalt  }
0x7b: {  	_ =	shalt  }
0x7c: {  	_ =	shalt  }
0x7d: {  	_ =	shalt  }
0x7e: {  	_ =	shalt  }
0x7f: {  	_ =	shalt  }
0x80: {  	_ =	shalt  }
0x81: {  	_ =	shalt  }
0x82: {  	_ =	shalt  }
0x83: {  	_ =	shalt  }
0x84: {  	_ =	shalt  }
0x85: {  	_ =	shalt  }
0x86: {  	_ =	shalt  }
0x87: {  	_ =	shalt  }
.Lfunc_end0:
.L_simem_size_0:
called_computation_lowered:
.L_overlay_start_0:
0x88: {  	s2 =	sld [smem:$0x3FD9]  }
0x89: {  	s3 =	sld [smem:$0x3FFE];
	_ =	sdelay $0x1  }
0x8a: {  	s1 =	srdreg.scid  }
0x8b: {  	s0 =	sand.u32 $0x1, s1  }
0x8c: {  	s16 =	sshll.u32 s0, $0xA;
	s2 =	sadd.s32 s3, s2  }
0x8d: {  	s2 =	sadd.s32 s2, s16  }
0x8e: {  	[smem:$0x3FC1] =	sst s2  }
0x8f: {  	_ = 	snop  }
0x90: {  	(tm) =	ssettm $0x1  }
0x91: {  	s17 =	sld [smem:$0x3FFB];
	_ =	sdelay $0x3  }
0x92: {  	_ =	strace s17  }
0x93: {  	s2 =	sld [smem:$0x3FFC];
	_ =	sdelay $0x3  }
0x94: {  	_ =	strace s2  }
0x95: {  	s2 =	sld [smem:$0x3FFD];
	_ =	sdelay $0x3  }
0x96: {  	_ =	strace s2  }
0x97: {  	_ =	strace $0x8FFFFFFF  }
0x98: {  	s18 =	sld [smem:$0x3FDB];
	_ =	sdelay $0x1  }
0x99: {  	s19 =	simm.s32 $_scs_section_size  }
0x9a: {  	s4 =	simm.s32 $_size__tile_overlayer_lowered;
	s5 =	simm.s32 $_tile_overlayer_lowered  }
0x9b: {  	s22 =	simm.s32 $0x1BFF;
	s21 =	sshll.u32 s5, $0x1;
	s2 =	sadd.s32 s19, s18  }
0x9c: {  	s6 =	simm.s32 $0x0;
	s20 =	sshll.u32 s4, $0x1;
	s4 =	sadd.s32 s21, s2  }
0x9d: {  	[timem:s6], [sflag:s22] =	dma.local [hbm:s4], s20  }
0x9e: {  	_ =	swait.ge [sflag:s22], s20  }
0x9f: {  	s3 =	ssub.s32 $0x0, s20;
	[sflag:s22] =	ssyncset.done $0x0  }
0xa0: {  	[sflag:s22] =	ssyncadd.s32 s3;
	_ =	sdelay $0x1  }
0xa1: {  	s23 =	simm.s32 $0x1B8B  }
0xa2: {  	_ =	swait.ge [sflag:s23], $0x1  }
0xa3: {  	[sflag:s23] =	ssyncset.done $0x0  }
0xa4: {  	s25 =	simm.s32 $0x1B8E;
	s24 =	sld [smem:$0x3FFE];
	[sflag:s23] =	ssyncadd.s32 $0xFFFFFFFF  }
0xa5: {  	s26 =	simm.s32 $execute0_lowered;
	[smem:$0x3FD2] =	sst s25  }
0xa6: {  	s4 =	sshll.u32 s26, $0x1;
	_ =	strace $0x80000046;
	[dreg:$0x1] =	wrdreg $0xFFFFFFFF  }
0xa7: {  	s28 =	simm.s32 $_size_execute0_lowered;
	s2 =	sadd.s32 s2, s4;
	[dreg:$0x0] =	wrdreg $0x0  }
0xa8: {  	s4 =	sshll.u32 s28, $0x1;
	[dreg:$0x2] =	wrdreg s2  }
0xa9: {  	[dreg:$0x3] =	wrdreg s4  }
0xaa: {  	[dreg:$0x4] =	wrdreg $0xC0  }
0xab: {  	_ =	task [dreg:s6], $0x5FFFF  }
0xac: {  	[dreg:$0x1] =	wrdreg $0xFFFFFFFF  }
0xad: {  	[dreg:$0x0] =	wrdreg $0x60  }
0xae: {  	[dreg:$0x2] =	wrdreg s24  }
0xaf: {  	[dreg:$0x3] =	wrdreg $0x9  }
0xb0: {  	_ =	task.clear_ibuf [dreg:s6], $0x4FFFF;
	_ =	strace $0x90000046  }
0xb1: {  	s29 =	simm.s32 $0x9;
	_ =	strace $0x80000048  }
0xb2: {  	_ =	swait.ge [sflag:s29], $0x1  }
0xb3: {  	[sflag:s29] =	ssyncadd.s32 $0xFFFFFFFF  }
0xb4: {  	_ =	strace $0x90000048  }
0xb5: {  	_ =	sfence  }
0xb6: {  	s30 =	sld [smem:$0x0];
	_ =	sdelay $0x2  }
0xb7: {  	s31 =	sshll.u32 s1, $0xD;
	s1 =	sshrl.u32 s1, $0x2  }
0xb8: {  	s3 =	sand.u32 $0x4000, s31;
	s1 =	sadd.s32 s1, s30  }
0xb9: {  	s0 =	sor.u32 s3, s0;
	s1 =	sshll.u32 s1, $0x11  }
0xba: {  	s0 =	sor.u32 s1, s0  }
0xbb: {  	s0 =	sadd.s32 $0x8F2B, s0  }
0xbc: {  	[sflag:s0] =	ssyncadd.remote.s32 $0x1  }
0xbd: {  	_ =	sfence.sel $0xFFFF  }
0xbe: {  	[dreg:$0x0] =	wrdreg $0xFFFFFFFF;
	(pc) =	sbr.abs _section_cstart, $3  }
0xbf: {  	[dreg:$0x1] =	wrdreg $0xFFFFFFFF  }
0xc0: {  	_ =	task.clear_ibuf [dreg:s6], $0x2FFFF;
	_ =	strace $0x9FFFFFFF  }
0xc1: {  	(tm) =	ssettm $0x7FFFFFFF  }
tec
execute0_lowered:
.L_overlay_start_1:
0x0: {  	(tag) =	ssettag $0x1  }
0x1: {  	s1 =	srdreg.scid;
	s0 =	stileid.u32  }
0x2: {  	s7 =	rddreg [dreg:$0x0];
	s2 =	simm.s32 $0x0;
	s12 =	simm.s32 $0x1  }
0x3: {  	s13 =	simm.s32 $0x800;
	s14 =	simm.s32 $0x1000;
	s15 =	simm.s32 $0x1800  }
0x4: {  	s16 =	simm.s32 $0x2000;
	s17 =	simm.s32 $0x2800;
	s18 =	simm.s32 $0x3000  }
0x5: {  	s19 =	simm.s32 $0x3800;
	s20 =	simm.s32 $0x4000;
	s21 =	simm.s32 $0x4800  }
0x6: {  	s22 =	simm.s32 $0x5000;
	s23 =	simm.s32 $0x5800;
	s24 =	simm.s32 $0x6000  }
0x7: {  	s25 =	simm.s32 $0x6800;
	s26 =	simm.s32 $0x7000;
	s28 =	simm.s32 $0x7800  }
0x8: {  	s29 =	simm.s32 $0x2;
	s4 =	sand.u32 $0x1, s1;
	s1 =	rddreg [dreg:$0x1]  }
0x9: {  	s3 =	sshll.u32 s0, $0x7;
	[smem:$0x7FF] =	sst s2;
	s5 =	sshll.u32 s4, $0x6  }
0xa: {  	s9 =	sadd.s32 $0x22000, s7;
	s4 =	ssub.s32 $0x2, s4;
	s6 =	sor.u32 s5, s3  }
0xb: {  	_ =	strace $0x80000047;
	s10 =	sshrl.u32 s4, $0x1;
	s3 =	sshll.u32 s6, $0x6  }
0xc: {  	s6 =	sshll.u32 s6, $0x1;
	s10 =	ssub.s32 s4, s10;
	s8 =	sadd.s32 s3, s7  }
0xd: {  	s3 =	sadd.s32 $0x32200, s7;
	s11 =	sand.u32 $0xF00, s6;
	s6 =	sor.u32 s5, s6  }
0xe: {  	s7 =	sadd.s32 $0x32300, s7;
	s5 =	sor.u32 s5, s11;
	s6 =	sshrl.u32 s6, $0x3  }
0xf: {  	v2 =	vlaneseq.u32;
	s4 =	sadd.s32 $0x2000, s8;
	s8 =	smax.u32 s10, $0x1;
	s10 =	simm.s32 $0x3  }
0x10: {  	vm0 =	vmmov $0xffff;
	v1 =	vshrl.u32 v2, $0x3;
	s11 =	simm.s32 $0x8080;
	s5 =	sshrl.u32 s5, $0x3;
	s6 =	sor.u32 $0x10, s6  }
0x11: {  	v0 =	vand.u32 $0x7, v2;
	v2 =	vor.u32 $0x8, v2;
	v1 =	vmul.u32 $0x8, v1;
	s5 =	sadd.s32 s9, s5;
	s6 =	sadd.s32 s9, s6;
	s9 =	simm.s32 $0x8000  }
.LBB2_1:
0x12: {  	[tilespmem:s2], [sflag:$0x1] =	stream.linear.gather [hbm4b:s4+s2], $0x8000, $0x38;
	[tilespmem:$0x8100] =	vst v63  }
0x13: {  	_ = 	snop  }
0x14: {  	[tilespmem:s9], [sflag:$0x3] =	stream.linear.gather [hbm4b:s5+s2], $0x40, $0x38;
	[tilespmem:$0x8100] =	vst v63  }
0x15: {  	_ =	swait.ge [sflag:s10], $0x40  }
0x16: {  	[sflag:s10] =	ssyncset.done $0x0  }
0x17: {  	[sflag:s10] =	ssyncadd.s32 $0xFFFFFFC0  }
0x18: {  	[tilespmem:s11], [sflag:$0x3] =	stream.linear.gather [hbm4b:s6+s2], $0x40, $0x38;
	[tilespmem:$0x8100] =	vst v63  }
0x19: {  	_ =	swait.ge [sflag:s10], $0x40  }
0x1a: {  	[sflag:s10] =	ssyncset.done $0x0  }
0x1b: {  	[sflag:s10] =	ssyncadd.s32 $0xFFFFFFC0  }
0x1c: {  	_ =	swait.ge [sflag:s12], $0x8000  }
0x1d: {  	[sflag:s12] =	ssyncset.done $0x0  }
0x1e: {  	[sflag:s12] =	ssyncadd.s32 $0xFFFF8000  }
0x1f: {  	v3 =	vld [tilespmem:$0x8000];
	_ =	sdelay $0x4  }
0x20: {  	v4 =	vshll.u32 v3, $0x2  }
0x21: {  	v3 =	vand.u32 $0x7, v3;
	v4 =	vand.u32 $0xFFFFFFE0, v4  }
0x22: {  	v3 =	vor.u32 v3, v4  }
0x23: {  	v4 =	vperm.xlane v3, v0;
	_ =	sdelay $0x1  }
0x24: {  	v4 =	vadd.s32 v1, v4;
	_ =	sdelay $0x1  }
0x25: {  	v3 =	vperm.xlane v3, v2;
	_ =	sdelay $0x1  }
0x26: {  	v3 =	vadd.s32 v1, v3  }
0x27: {  	[hbm4b:s3+s2] =	stream.indirect_vreg.scatter [tilespmem:s2], [sflag:$0x1], $0x80, v4, vm0, $0xb8;
	[tilespmem:$0x8100] =	vst v63  }
0x28: {  	_ = 	snop  }
0x29: {  	[hbm4b:s7+s2] =	stream.indirect_vreg.scatter [tilespmem:s13], [sflag:$0x1], $0x80, v4, vm0, $0xb8;
	[tilespmem:$0x8100] =	vst v63  }
0x2a: {  	_ = 	snop  }
0x2b: {  	[hbm4b:s3+s2] =	stream.indirect_vreg.scatter [tilespmem:s14], [sflag:$0x1], $0x80, v3, vm0, $0xb8;
	[tilespmem:$0x8100] =	vst v63  }
0x2c: {  	_ = 	snop  }
0x2d: {  	[hbm4b:s7+s2] =	stream.indirect_vreg.scatter [tilespmem:s15], [sflag:$0x1], $0x80, v3, vm0, $0xb8;
	[tilespmem:$0x8100] =	vst v63  }
0x2e: {  	v3 =	vld [tilespmem:$0x8010];
	_ =	sdelay $0x4  }
0x2f: {  	v57 =	vshll.u32 v3, $0x2  }
0x30: {  	v3 =	vand.u32 $0x7, v3;
	v4 =	vand.u32 $0xFFFFFFE0, v57  }
0x31: {  	v3 =	vor.u32 v3, v4  }
0x32: {  	v4 =	vperm.xlane v3, v0;
	_ =	sdelay $0x1  }
0x33: {  	v4 =	vadd.s32 v1, v4;
	_ =	sdelay $0x1  }
0x34: {  	v3 =	vperm.xlane v3, v2;
	_ =	sdelay $0x1  }
0x35: {  	v3 =	vadd.s32 v1, v3  }
0x36: {  	[hbm4b:s3+s2] =	stream.indirect_vreg.scatter [tilespmem:s16], [sflag:$0x1], $0x80, v4, vm0, $0xb8;
	[tilespmem:$0x8100] =	vst v63  }
0x37: {  	_ = 	snop  }
0x38: {  	[hbm4b:s7+s2] =	stream.indirect_vreg.scatter [tilespmem:s17], [sflag:$0x1], $0x80, v4, vm0, $0xb8;
	[tilespmem:$0x8100] =	vst v63  }
0x39: {  	_ = 	snop  }
0x3a: {  	[hbm4b:s3+s2] =	stream.indirect_vreg.scatter [tilespmem:s18], [sflag:$0x1], $0x80, v3, vm0, $0xb8;
	[tilespmem:$0x8100] =	vst v63  }
0x3b: {  	_ = 	snop  }
0x3c: {  	[hbm4b:s7+s2] =	stream.indirect_vreg.scatter [tilespmem:s19], [sflag:$0x1], $0x80, v3, vm0, $0xb8;
	[tilespmem:$0x8100] =	vst v63  }
0x3d: {  	v3 =	vld [tilespmem:$0x8020];
	_ =	sdelay $0x4  }
0x3e: {  	v58 =	vshll.u32 v3, $0x2  }
0x3f: {  	v3 =	vand.u32 $0x7, v3;
	v4 =	vand.u32 $0xFFFFFFE0, v58  }
0x40: {  	v3 =	vor.u32 v3, v4  }
0x41: {  	v4 =	vperm.xlane v3, v0;
	_ =	sdelay $0x1  }
0x42: {  	v4 =	vadd.s32 v1, v4;
	_ =	sdelay $0x1  }
0x43: {  	v3 =	vperm.xlane v3, v2;
	_ =	sdelay $0x1  }
0x44: {  	v3 =	vadd.s32 v1, v3  }
0x45: {  	[hbm4b:s3+s2] =	stream.indirect_vreg.scatter [tilespmem:s20], [sflag:$0x1], $0x80, v4, vm0, $0xb8;
	[tilespmem:$0x8100] =	vst v63  }
0x46: {  	_ = 	snop  }
0x47: {  	[hbm4b:s7+s2] =	stream.indirect_vreg.scatter [tilespmem:s21], [sflag:$0x1], $0x80, v4, vm0, $0xb8;
	[tilespmem:$0x8100] =	vst v63  }
0x48: {  	_ = 	snop  }
0x49: {  	[hbm4b:s3+s2] =	stream.indirect_vreg.scatter [tilespmem:s22], [sflag:$0x1], $0x80, v3, vm0, $0xb8;
	[tilespmem:$0x8100] =	vst v63  }
0x4a: {  	_ = 	snop  }
0x4b: {  	[hbm4b:s7+s2] =	stream.indirect_vreg.scatter [tilespmem:s23], [sflag:$0x1], $0x80, v3, vm0, $0xb8;
	[tilespmem:$0x8100] =	vst v63  }
0x4c: {  	v3 =	vld [tilespmem:$0x8030];
	_ =	sdelay $0x4  }
0x4d: {  	v59 =	vshll.u32 v3, $0x2  }
0x4e: {  	v3 =	vand.u32 $0x7, v3;
	v4 =	vand.u32 $0xFFFFFFE0, v59  }
0x4f: {  	v3 =	vor.u32 v3, v4  }
0x50: {  	v4 =	vperm.xlane v3, v0;
	_ =	sdelay $0x1  }
0x51: {  	v4 =	vadd.s32 v1, v4;
	_ =	sdelay $0x1  }
0x52: {  	v3 =	vperm.xlane v3, v2;
	_ =	sdelay $0x1  }
0x53: {  	v3 =	vadd.s32 v1, v3  }
0x54: {  	[hbm4b:s3+s2] =	stream.indirect_vreg.scatter [tilespmem:s24], [sflag:$0x1], $0x80, v4, vm0, $0xb8;
	[tilespmem:$0x8100] =	vst v63  }
0x55: {  	_ = 	snop  }
0x56: {  	[hbm4b:s7+s2] =	stream.indirect_vreg.scatter [tilespmem:s25], [sflag:$0x1], $0x80, v4, vm0, $0xb8;
	[tilespmem:$0x8100] =	vst v63  }
0x57: {  	_ = 	snop  }
0x58: {  	[hbm4b:s3+s2] =	stream.indirect_vreg.scatter [tilespmem:s26], [sflag:$0x1], $0x80, v3, vm0, $0xb8;
	[tilespmem:$0x8100] =	vst v63  }
0x59: {  	_ = 	snop  }
0x5a: {  	[hbm4b:s7+s2] =	stream.indirect_vreg.scatter [tilespmem:s28], [sflag:$0x1], $0x80, v3, vm0, $0xb8;
	[tilespmem:$0x8100] =	vst v63  }
0x5b: {  	v3 =	vld [tilespmem:$0x8080];
	_ =	sdelay $0x4  }
0x5c: {  	v60 =	vshll.u32 v3, $0x2  }
0x5d: {  	v3 =	vand.u32 $0x7, v3;
	v4 =	vand.u32 $0xFFFFFFE0, v60  }
0x5e: {  	v3 =	vor.u32 v3, v4  }
0x5f: {  	v4 =	vperm.xlane v3, v0;
	_ =	sdelay $0x1  }
0x60: {  	v4 =	vadd.s32 v1, v4;
	_ =	sdelay $0x1  }
0x61: {  	v3 =	vperm.xlane v3, v2;
	_ =	sdelay $0x1  }
0x62: {  	v3 =	vadd.s32 v1, v3  }
0x63: {  	[hbm4b:s3+s2] =	stream.indirect_vreg.scatter [tilespmem:s2], [sflag:$0x2], $0x80, v4, vm0, $0xb8;
	[tilespmem:$0x8100] =	vst v63  }
0x64: {  	_ = 	snop  }
0x65: {  	[hbm4b:s7+s2] =	stream.indirect_vreg.scatter [tilespmem:s13], [sflag:$0x2], $0x80, v4, vm0, $0xb8;
	[tilespmem:$0x8100] =	vst v63  }
0x66: {  	_ = 	snop  }
0x67: {  	[hbm4b:s3+s2] =	stream.indirect_vreg.scatter [tilespmem:s14], [sflag:$0x2], $0x80, v3, vm0, $0xb8;
	[tilespmem:$0x8100] =	vst v63  }
0x68: {  	_ = 	snop  }
0x69: {  	[hbm4b:s7+s2] =	stream.indirect_vreg.scatter [tilespmem:s15], [sflag:$0x2], $0x80, v3, vm0, $0xb8;
	[tilespmem:$0x8100] =	vst v63  }
0x6a: {  	v3 =	vld [tilespmem:$0x8090];
	_ =	sdelay $0x4  }
0x6b: {  	v61 =	vshll.u32 v3, $0x2  }
0x6c: {  	v3 =	vand.u32 $0x7, v3;
	v4 =	vand.u32 $0xFFFFFFE0, v61  }
0x6d: {  	v3 =	vor.u32 v3, v4  }
0x6e: {  	v4 =	vperm.xlane v3, v0;
	_ =	sdelay $0x1  }
0x6f: {  	v4 =	vadd.s32 v1, v4;
	_ =	sdelay $0x1  }
0x70: {  	v3 =	vperm.xlane v3, v2;
	_ =	sdelay $0x1  }
0x71: {  	v3 =	vadd.s32 v1, v3  }
0x72: {  	[hbm4b:s3+s2] =	stream.indirect_vreg.scatter [tilespmem:s16], [sflag:$0x2], $0x80, v4, vm0, $0xb8;
	[tilespmem:$0x8100] =	vst v63  }
0x73: {  	_ = 	snop  }
0x74: {  	[hbm4b:s7+s2] =	stream.indirect_vreg.scatter [tilespmem:s17], [sflag:$0x2], $0x80, v4, vm0, $0xb8;
	[tilespmem:$0x8100] =	vst v63  }
0x75: {  	_ = 	snop  }
0x76: {  	[hbm4b:s3+s2] =	stream.indirect_vreg.scatter [tilespmem:s18], [sflag:$0x2], $0x80, v3, vm0, $0xb8;
	[tilespmem:$0x8100] =	vst v63  }
0x77: {  	_ = 	snop  }
0x78: {  	[hbm4b:s7+s2] =	stream.indirect_vreg.scatter [tilespmem:s19], [sflag:$0x2], $0x80, v3, vm0, $0xb8;
	[tilespmem:$0x8100] =	vst v63  }
0x79: {  	v3 =	vld [tilespmem:$0x80A0];
	_ =	sdelay $0x4  }
0x7a: {  	v62 =	vshll.u32 v3, $0x2  }
0x7b: {  	v3 =	vand.u32 $0x7, v3;
	v4 =	vand.u32 $0xFFFFFFE0, v62  }
0x7c: {  	v3 =	vor.u32 v3, v4  }
0x7d: {  	v4 =	vperm.xlane v3, v0;
	_ =	sdelay $0x1  }
0x7e: {  	v4 =	vadd.s32 v1, v4;
	_ =	sdelay $0x1  }
0x7f: {  	v3 =	vperm.xlane v3, v2;
	_ =	sdelay $0x1  }
0x80: {  	v3 =	vadd.s32 v1, v3  }
0x81: {  	[hbm4b:s3+s2] =	stream.indirect_vreg.scatter [tilespmem:s20], [sflag:$0x2], $0x80, v4, vm0, $0xb8;
	[tilespmem:$0x8100] =	vst v63  }
0x82: {  	_ = 	snop  }
0x83: {  	[hbm4b:s7+s2] =	stream.indirect_vreg.scatter [tilespmem:s21], [sflag:$0x2], $0x80, v4, vm0, $0xb8;
	[tilespmem:$0x8100] =	vst v63  }
0x84: {  	_ = 	snop  }
0x85: {  	[hbm4b:s3+s2] =	stream.indirect_vreg.scatter [tilespmem:s22], [sflag:$0x2], $0x80, v3, vm0, $0xb8;
	[tilespmem:$0x8100] =	vst v63  }
0x86: {  	_ = 	snop  }
0x87: {  	[hbm4b:s7+s2] =	stream.indirect_vreg.scatter [tilespmem:s23], [sflag:$0x2], $0x80, v3, vm0, $0xb8;
	[tilespmem:$0x8100] =	vst v63  }
0x88: {  	v3 =	vld [tilespmem:$0x80B0];
	_ =	sdelay $0x4  }
0x89: {  	v63 =	vshll.u32 v3, $0x2  }
0x8a: {  	v3 =	vand.u32 $0x7, v3;
	v4 =	vand.u32 $0xFFFFFFE0, v63  }
0x8b: {  	v3 =	vor.u32 v3, v4  }
0x8c: {  	v4 =	vperm.xlane v3, v0;
	_ =	sdelay $0x1  }
0x8d: {  	v4 =	vadd.s32 v1, v4;
	_ =	sdelay $0x1  }
0x8e: {  	v3 =	vperm.xlane v3, v2;
	_ =	sdelay $0x1  }
0x8f: {  	v3 =	vadd.s32 v1, v3  }
0x90: {  	[hbm4b:s3+s2] =	stream.indirect_vreg.scatter [tilespmem:s24], [sflag:$0x2], $0x80, v4, vm0, $0xb8;
	[tilespmem:$0x8100] =	vst v63  }
0x91: {  	_ = 	snop  }
0x92: {  	[hbm4b:s7+s2] =	stream.indirect_vreg.scatter [tilespmem:s25], [sflag:$0x2], $0x80, v4, vm0, $0xb8;
	[tilespmem:$0x8100] =	vst v63  }
0x93: {  	_ = 	snop  }
0x94: {  	[hbm4b:s3+s2] =	stream.indirect_vreg.scatter [tilespmem:s26], [sflag:$0x2], $0x80, v3, vm0, $0xb8;
	[tilespmem:$0x8100] =	vst v63  }
0x95: {  	_ = 	snop  }
0x96: {  	[hbm4b:s7+s2] =	stream.indirect_vreg.scatter [tilespmem:s28], [sflag:$0x2], $0x80, v3, vm0, $0xb8;
	[tilespmem:$0x8100] =	vst v63  }
0x97: {  	p0 =	sne.s32 s8, $0x1;
	_ =	swait.ge [sflag:s12], $0x8000  }
.Ltmp0:
0x98: {  	[sflag:s12] =	ssyncset.done $0x0;
	(pc) =	sbr.rel @p0 .LBB2_1-.Ltmp0, $4  }
0x99: {  	[sflag:s12] =	ssyncadd.s32 $0xFFFF8000  }
0x9a: {  	_ =	swait.ge [sflag:s29], $0x8000  }
0x9b: {  	[sflag:s29] =	ssyncset.done $0x0  }
0x9c: {  	s8 =	sadd.s32 $0xFFFFFFFF, s8;
	[sflag:s29] =	ssyncadd.s32 $0xFFFF8000  }
0x9d: {  	_ =	sfence.sel $0x180000  }
0x9e: {  	[bflag:$0x0] =	sbarrier.arrive $0xFFFF  }
0x9f: {  	p0 =	sne.s32 s0, $0x0;
	_ =	strace $0x90000047  }
0xa0: {  	s0 =	sadd.s32 @!p0 $0x100000, s1;
	[bflag:$0x2] =	sbarrier.arrive $0xFFFF  }
0xa1: {  	[sflag:s0] =	ssyncadd.tile.s32 @!p0 $0x1;
	_ =	shalt  }
.Lfunc_end2:
_tile_overlayer_lowered:
.L_overlay_start_2:
0xa2: {  	(tag) =	ssettag $0x2  }
0xa3: {  	s0 =	rddreg [dreg:$0x0];
	s2 =	stileid.u32  }
0xa4: {  	s1 =	rddreg [dreg:$0x1];
	p0 =	sne.s32 s2, $0x0  }
0xa5: {  	s3 =	rddreg [dreg:$0x2];
	[bflag:$0x3] =	sbarrier.arrive $0xFFFF;
	s2 =	simm.s32 @!p0 $0x1C03  }
0xa6: {  	[timem:s3], [sflag:s2] =	dma.local @!p0 [hbm:s0], s1  }
0xa7: {  	s0 =	simm.s32 @!p0 $0x3  }
0xa8: {  	_ =	swait.ge @!p0 [sflag:s0], s1  }
0xa9: {  	s1 =	ssub.s32 @!p0 $0x0, s1;
	[sflag:s0] =	ssyncset.done @!p0 $0x0  }
0xaa: {  	[sflag:s0] =	ssyncadd.s32 @!p0 s1  }
0xab: {  	[bflag:$0x3] =	sbarrier.arrive $0xFFFF  }
0xac: {  	_ =	shalt  }

</sc_bundles>
